<compile_context>
chip_gen: v7x
topology: tpu7x:2x2x1
jax: 0.10.2.dev20260603
libtpu: 0.0.44.dev20260713+nightly
codegen_flags: <defaults>
</compile_context>

<pallas_src>
import functools

import jax
import jax.numpy as jnp
from jax import lax
from jax.experimental import pallas as pl
from jax.experimental.pallas import tpu as pltpu
from jax.experimental.pallas import tpu_sc as plsc

D = 128
CH = 128
NB = 5
NC = 2
NS = 16
NW = NC * NS


@functools.lru_cache(maxsize=None)
def _make_gather(n_total: int):
  n_per_w = n_total // NW
  n_gathers = n_per_w // CH
  assert n_per_w % CH == 0 and n_gathers % NB == 0 and n_gathers >= 2 * NB

  def body(ids_hbm, table_hbm, out_hbm, idx_v, rows_v, gsems, wsems):
    wid = lax.axis_index("s") * NC + lax.axis_index("c")
    base = wid * n_per_w
    pltpu.sync_copy(ids_hbm.at[pl.ds(base, n_per_w)], idx_v)

    def gather(g, s):
      return pltpu.make_async_copy(
          table_hbm.at[idx_v.at[pl.ds(g * CH, CH)]], rows_v.at[s],
          gsems[s])

    def write(g, s):
      return pltpu.make_async_copy(
          rows_v.at[s], out_hbm.at[pl.ds(base + g * CH, CH)], wsems[s])

    for b in range(NB):
      gather(b, b).start()
    gather(0, 0).wait()
    write(0, 0).start()

    @pl.loop(1, n_gathers - NB + 1, step=NB)
    def _(gb):
      for j in range(NB):
        g = gb + j
        s = (1 + j) % NB
        sh = (s + NB - 1) % NB
        gather(g, s).wait()
        write(g, s).start()
        write(g - 1, sh).wait()
        gather(g + NB - 1, sh).start()

    for g in range(n_gathers - NB + 1, n_gathers):
      s = g % NB
      gather(g, s).wait()
      write(g, s).start()
    for g in range(n_gathers - NB, n_gathers):
      write(g, g % NB).wait()

  return pl.kernel(
      body,
      out_type=jax.ShapeDtypeStruct((n_total, D), jnp.float32),
      mesh=plsc.VectorSubcoreMesh(core_axis_name="c", subcore_axis_name="s"),
      scratch_types=[
          pltpu.VMEM((n_per_w,), jnp.int32),
          pltpu.VMEM((NB, CH, D), jnp.float32),
          [pltpu.SemaphoreType.DMA] * NB,
          [pltpu.SemaphoreType.DMA] * NB,
      ],
  )


def kernel(input_ids, table):
  b, s = input_ids.shape
  ids = input_ids.reshape(-1).astype(jnp.int32)
  out = _make_gather(b * s)(ids, table)
  return out.reshape(b, s, D)

# --- scband reference (transcript-rebuilt; emitter-appended) ---
"""Pipeline reference for scband-system2a-encoder-29506425324223 (READ-ONLY COPY).

The authoritative reference and input builder live on the scoring server;
editing this copy changes nothing except your own understanding.
"""

import jax, jax.numpy as jnp
import numpy as np

NUM_EMBEDDINGS = 100000
EMBED_DIM = 128
BATCH = 4096
SEQ = 200

def setup_inputs(seed: int = 0) -> dict:
    key = jax.random.key(seed)
    k_idx, k_tab = jax.random.split(key)
    input_ids = jax.random.randint(k_idx, (BATCH, SEQ), 0, NUM_EMBEDDINGS, dtype=jnp.int64 if jax.config.jax_enable_x64 else jnp.int32)
    table = jax.random.normal(k_tab, (NUM_EMBEDDINGS, EMBED_DIM), dtype=jnp.float32)
    return {"input_ids": input_ids, "table": table}

def reference(input_ids, table):
    # Faithful translation of nn.Embedding lookup: encoder(input_ids)
    return jnp.take(table, input_ids, axis=0)

if __name__ == "__main__":
    import jax
    _d = setup_inputs()
    print(jax.jit(kernel)(*tuple(_d.values())))

</pallas_src>

<mosaic_0001>
#map = affine_map<(d0, d1) -> (0)>
#map1 = affine_map<(d0, d1) -> (0, 0)>
module attributes {stable_mosaic.version = 14 : i64} {
  func.func @body(%arg0: i32, %arg1: i32, %arg2: memref<819200xi32, #tpu.memory_space<hbm>>, %arg3: memref<100000x128xf32, #tpu.memory_space<hbm>>, %arg4: memref<819200x128xf32, #tpu.memory_space<hbm>>, %arg5: memref<25600xi32, #tpu.memory_space<vmem>>, %arg6: memref<5x128x128xf32, #tpu.memory_space<vmem>>, %arg7: memref<!tpu.dma_semaphore, #tpu.memory_space<semaphore_mem>>, %arg8: memref<!tpu.dma_semaphore, #tpu.memory_space<semaphore_mem>>, %arg9: memref<!tpu.dma_semaphore, #tpu.memory_space<semaphore_mem>>, %arg10: memref<!tpu.dma_semaphore, #tpu.memory_space<semaphore_mem>>, %arg11: memref<!tpu.dma_semaphore, #tpu.memory_space<semaphore_mem>>, %arg12: memref<!tpu.dma_semaphore, #tpu.memory_space<semaphore_mem>>, %arg13: memref<!tpu.dma_semaphore, #tpu.memory_space<semaphore_mem>>, %arg14: memref<!tpu.dma_semaphore, #tpu.memory_space<semaphore_mem>>, %arg15: memref<!tpu.dma_semaphore, #tpu.memory_space<semaphore_mem>>, %arg16: memref<!tpu.dma_semaphore, #tpu.memory_space<semaphore_mem>>) attributes {dimension_semantics = [#tpu.dimension_semantics<core_parallel>, #tpu.dimension_semantics<subcore_parallel>], iteration_bounds = array<i64: 2, 16>, scalar_prefetch = 0 : i64, scratch_operands = 12 : i64, tpu.core_type = #tpu.core_type<sc_vector_subcore>, window_params = [{transform_indices = #map}, {transform_indices = #map1}, {transform_indices = #map1}]} {
    %mul3A = arith.constant 2 : i32
    %mul3A_0 = arith.muli %arg1, %mul3A : i32
    %add3A = arith.addi %mul3A_0, %arg0 : i32
    %mul3A_1 = arith.constant 25600 : i32
    %mul3A_2 = arith.muli %add3A, %mul3A_1 : i32
    "tpu.region"() ({
      %run_scoped3A = tpu.sem_alloc : memref<!tpu.dma_semaphore, #tpu.memory_space<semaphore_mem>>
      %dma_start3A_255 = tpu.memref_slice %arg2[%mul3A_2] : memref<819200xi32, #tpu.memory_space<hbm>> -> memref<25600xi32, #tpu.memory_space<hbm>>
      %dma_start3A_256 = tpu.memref_slice %arg2[%mul3A_2] : memref<819200xi32, #tpu.memory_space<hbm>> -> memref<25600xi32, #tpu.memory_space<hbm>>
      tpu.enqueue_dma source(%dma_start3A_256 : memref<25600xi32, #tpu.memory_space<hbm>>) target(%arg5 : memref<25600xi32, #tpu.memory_space<vmem>>) target_semaphore(%run_scoped3A : memref<!tpu.dma_semaphore, #tpu.memory_space<semaphore_mem>>)
      %dma_wait3A_257 = tpu.memref_slice %arg2[%mul3A_2] : memref<819200xi32, #tpu.memory_space<hbm>> -> memref<25600xi32, #tpu.memory_space<hbm>>
      %dma_wait3A_258 = tpu.memref_slice %arg2[%mul3A_2] : memref<819200xi32, #tpu.memory_space<hbm>> -> memref<25600xi32, #tpu.memory_space<hbm>>
      tpu.wait_dma2 semaphore(%run_scoped3A : memref<!tpu.dma_semaphore, #tpu.memory_space<semaphore_mem>>) src(%dma_wait3A_258 : memref<25600xi32, #tpu.memory_space<hbm>>) dst(%arg5 : memref<25600xi32, #tpu.memory_space<vmem>>)
      tpu.yield
    }) : () -> ()
    %dma_start3A = arith.constant 0 : i32
    %dma_start3A_3 = arith.constant 0 : i32
    %dma_start3A_4 = arith.constant 0 : i32
    %dma_start3A_5 = tpu.memref_slice %arg6[%dma_start3A, %dma_start3A_3, %dma_start3A_4] : memref<5x128x128xf32, #tpu.memory_space<vmem>> -> memref<1x128x128xf32, #tpu.memory_space<vmem>>
    %dma_start3A_6 = tpu.memref_squeeze %dma_start3A_5 : memref<1x128x128xf32, #tpu.memory_space<vmem>> -> memref<128x128xf32, #tpu.memory_space<vmem>>
    %dma_start3A_7 = arith.constant 0 : i32
    %dma_start3A_8 = tpu.memref_slice %arg5[%dma_start3A_7] : memref<25600xi32, #tpu.memory_space<vmem>> -> memref<128xi32, #tpu.memory_space<vmem>>
    %dma_start3A_9 = arith.constant 0 : i32
    %dma_start3A_10 = arith.constant 0 : i32
    %dma_start3A_11 = tpu.memref_slice %arg3[%dma_start3A_9, %dma_start3A_10] : memref<100000x128xf32, #tpu.memory_space<hbm>> -> memref<100000x128xf32, #tpu.memory_space<hbm>>
    tpu.enqueue_indirect_dma source(%dma_start3A_11 : memref<100000x128xf32, #tpu.memory_space<hbm>>) target(%dma_start3A_6 : memref<128x128xf32, #tpu.memory_space<vmem>>) offsets(%dma_start3A_8 : memref<128xi32, #tpu.memory_space<vmem>>) semaphore(%arg7 : memref<!tpu.dma_semaphore, #tpu.memory_space<semaphore_mem>>)
    %dma_start3A_12 = arith.constant 1 : i32
    %dma_start3A_13 = arith.constant 0 : i32
    %dma_start3A_14 = arith.constant 0 : i32
    %dma_start3A_15 = tpu.memref_slice %arg6[%dma_start3A_12, %dma_start3A_13, %dma_start3A_14] : memref<5x128x128xf32, #tpu.memory_space<vmem>> -> memref<1x128x128xf32, #tpu.memory_space<vmem>>
    %dma_start3A_16 = tpu.memref_squeeze %dma_start3A_15 : memref<1x128x128xf32, #tpu.memory_space<vmem>> -> memref<128x128xf32, #tpu.memory_space<vmem>>
    %dma_start3A_17 = arith.constant 128 : i32
    %dma_start3A_18 = tpu.memref_slice %arg5[%dma_start3A_17] : memref<25600xi32, #tpu.memory_space<vmem>> -> memref<128xi32, #tpu.memory_space<vmem>>
    %dma_start3A_19 = arith.constant 0 : i32
    %dma_start3A_20 = arith.constant 0 : i32
    %dma_start3A_21 = tpu.memref_slice %arg3[%dma_start3A_19, %dma_start3A_20] : memref<100000x128xf32, #tpu.memory_space<hbm>> -> memref<100000x128xf32, #tpu.memory_space<hbm>>
    tpu.enqueue_indirect_dma source(%dma_start3A_21 : memref<100000x128xf32, #tpu.memory_space<hbm>>) target(%dma_start3A_16 : memref<128x128xf32, #tpu.memory_space<vmem>>) offsets(%dma_start3A_18 : memref<128xi32, #tpu.memory_space<vmem>>) semaphore(%arg8 : memref<!tpu.dma_semaphore, #tpu.memory_space<semaphore_mem>>)
    %dma_start3A_22 = arith.constant 2 : i32
    %dma_start3A_23 = arith.constant 0 : i32
    %dma_start3A_24 = arith.constant 0 : i32
    %dma_start3A_25 = tpu.memref_slice %arg6[%dma_start3A_22, %dma_start3A_23, %dma_start3A_24] : memref<5x128x128xf32, #tpu.memory_space<vmem>> -> memref<1x128x128xf32, #tpu.memory_space<vmem>>
    %dma_start3A_26 = tpu.memref_squeeze %dma_start3A_25 : memref<1x128x128xf32, #tpu.memory_space<vmem>> -> memref<128x128xf32, #tpu.memory_space<vmem>>
    %dma_start3A_27 = arith.constant 256 : i32
    %dma_start3A_28 = tpu.memref_slice %arg5[%dma_start3A_27] : memref<25600xi32, #tpu.memory_space<vmem>> -> memref<128xi32, #tpu.memory_space<vmem>>
    %dma_start3A_29 = arith.constant 0 : i32
    %dma_start3A_30 = arith.constant 0 : i32
    %dma_start3A_31 = tpu.memref_slice %arg3[%dma_start3A_29, %dma_start3A_30] : memref<100000x128xf32, #tpu.memory_space<hbm>> -> memref<100000x128xf32, #tpu.memory_space<hbm>>
    tpu.enqueue_indirect_dma source(%dma_start3A_31 : memref<100000x128xf32, #tpu.memory_space<hbm>>) target(%dma_start3A_26 : memref<128x128xf32, #tpu.memory_space<vmem>>) offsets(%dma_start3A_28 : memref<128xi32, #tpu.memory_space<vmem>>) semaphore(%arg9 : memref<!tpu.dma_semaphore, #tpu.memory_space<semaphore_mem>>)
    %dma_start3A_32 = arith.constant 3 : i32
    %dma_start3A_33 = arith.constant 0 : i32
    %dma_start3A_34 = arith.constant 0 : i32
    %dma_start3A_35 = tpu.memref_slice %arg6[%dma_start3A_32, %dma_start3A_33, %dma_start3A_34] : memref<5x128x128xf32, #tpu.memory_space<vmem>> -> memref<1x128x128xf32, #tpu.memory_space<vmem>>
    %dma_start3A_36 = tpu.memref_squeeze %dma_start3A_35 : memref<1x128x128xf32, #tpu.memory_space<vmem>> -> memref<128x128xf32, #tpu.memory_space<vmem>>
    %dma_start3A_37 = arith.constant 384 : i32
    %dma_start3A_38 = tpu.memref_slice %arg5[%dma_start3A_37] : memref<25600xi32, #tpu.memory_space<vmem>> -> memref<128xi32, #tpu.memory_space<vmem>>
    %dma_start3A_39 = arith.constant 0 : i32
    %dma_start3A_40 = arith.constant 0 : i32
    %dma_start3A_41 = tpu.memref_slice %arg3[%dma_start3A_39, %dma_start3A_40] : memref<100000x128xf32, #tpu.memory_space<hbm>> -> memref<100000x128xf32, #tpu.memory_space<hbm>>
    tpu.enqueue_indirect_dma source(%dma_start3A_41 : memref<100000x128xf32, #tpu.memory_space<hbm>>) target(%dma_start3A_36 : memref<128x128xf32, #tpu.memory_space<vmem>>) offsets(%dma_start3A_38 : memref<128xi32, #tpu.memory_space<vmem>>) semaphore(%arg10 : memref<!tpu.dma_semaphore, #tpu.memory_space<semaphore_mem>>)
    %dma_start3A_42 = arith.constant 4 : i32
    %dma_start3A_43 = arith.constant 0 : i32
    %dma_start3A_44 = arith.constant 0 : i32
    %dma_start3A_45 = tpu.memref_slice %arg6[%dma_start3A_42, %dma_start3A_43, %dma_start3A_44] : memref<5x128x128xf32, #tpu.memory_space<vmem>> -> memref<1x128x128xf32, #tpu.memory_space<vmem>>
    %dma_start3A_46 = tpu.memref_squeeze %dma_start3A_45 : memref<1x128x128xf32, #tpu.memory_space<vmem>> -> memref<128x128xf32, #tpu.memory_space<vmem>>
    %dma_start3A_47 = arith.constant 512 : i32
    %dma_start3A_48 = tpu.memref_slice %arg5[%dma_start3A_47] : memref<25600xi32, #tpu.memory_space<vmem>> -> memref<128xi32, #tpu.memory_space<vmem>>
    %dma_start3A_49 = arith.constant 0 : i32
    %dma_start3A_50 = arith.constant 0 : i32
    %dma_start3A_51 = tpu.memref_slice %arg3[%dma_start3A_49, %dma_start3A_50] : memref<100000x128xf32, #tpu.memory_space<hbm>> -> memref<100000x128xf32, #tpu.memory_space<hbm>>
    tpu.enqueue_indirect_dma source(%dma_start3A_51 : memref<100000x128xf32, #tpu.memory_space<hbm>>) target(%dma_start3A_46 : memref<128x128xf32, #tpu.memory_space<vmem>>) offsets(%dma_start3A_48 : memref<128xi32, #tpu.memory_space<vmem>>) semaphore(%arg11 : memref<!tpu.dma_semaphore, #tpu.memory_space<semaphore_mem>>)
    %dma_wait3A = arith.constant 0 : i32
    %dma_wait3A_52 = arith.constant 0 : i32
    %dma_wait3A_53 = arith.constant 0 : i32
    %dma_wait3A_54 = tpu.memref_slice %arg6[%dma_wait3A, %dma_wait3A_52, %dma_wait3A_53] : memref<5x128x128xf32, #tpu.memory_space<vmem>> -> memref<1x128x128xf32, #tpu.memory_space<vmem>>
    %dma_wait3A_55 = tpu.memref_squeeze %dma_wait3A_54 : memref<1x128x128xf32, #tpu.memory_space<vmem>> -> memref<128x128xf32, #tpu.memory_space<vmem>>
    %dma_wait3A_56 = arith.constant 0 : i32
    %dma_wait3A_57 = tpu.memref_slice %arg5[%dma_wait3A_56] : memref<25600xi32, #tpu.memory_space<vmem>> -> memref<128xi32, #tpu.memory_space<vmem>>
    %dma_wait3A_58 = arith.constant 0 : i32
    %dma_wait3A_59 = arith.constant 0 : i32
    %dma_wait3A_60 = tpu.memref_slice %arg3[%dma_wait3A_58, %dma_wait3A_59] : memref<100000x128xf32, #tpu.memory_space<hbm>> -> memref<100000x128xf32, #tpu.memory_space<hbm>>
    tpu.wait_indirect_dma semaphore(%arg7 : memref<!tpu.dma_semaphore, #tpu.memory_space<semaphore_mem>>) src(%dma_wait3A_60 : memref<100000x128xf32, #tpu.memory_space<hbm>>) dst(%dma_wait3A_55 : memref<128x128xf32, #tpu.memory_space<vmem>>)
    %add3A_61 = arith.constant 0 : i32
    %add3A_62 = arith.addi %mul3A_2, %add3A_61 : i32
    %dma_start3A_63 = arith.constant 0 : i32
    %dma_start3A_64 = arith.constant 0 : i32
    %dma_start3A_65 = arith.constant 0 : i32
    %dma_start3A_66 = tpu.memref_slice %arg6[%dma_start3A_63, %dma_start3A_64, %dma_start3A_65] : memref<5x128x128xf32, #tpu.memory_space<vmem>> -> memref<1x128x128xf32, #tpu.memory_space<vmem>>
    %dma_start3A_67 = tpu.memref_squeeze %dma_start3A_66 : memref<1x128x128xf32, #tpu.memory_space<vmem>> -> memref<128x128xf32, #tpu.memory_space<vmem>>
    %dma_start3A_68 = arith.constant 0 : i32
    %dma_start3A_69 = tpu.memref_slice %arg4[%add3A_62, %dma_start3A_68] : memref<819200x128xf32, #tpu.memory_space<hbm>> -> memref<128x128xf32, #tpu.memory_space<hbm>>
    %dma_start3A_70 = arith.constant 0 : i32
    %dma_start3A_71 = tpu.memref_slice %arg4[%add3A_62, %dma_start3A_70] : memref<819200x128xf32, #tpu.memory_space<hbm>> -> memref<128x128xf32, #tpu.memory_space<hbm>>
    %dma_start3A_72 = arith.constant 0 : i32
    %dma_start3A_73 = arith.constant 0 : i32
    %dma_start3A_74 = tpu.memref_slice %arg6[%dma_start3A_63, %dma_start3A_72, %dma_start3A_73] : memref<5x128x128xf32, #tpu.memory_space<vmem>> -> memref<1x128x128xf32, #tpu.memory_space<vmem>>
    %dma_start3A_75 = tpu.memref_squeeze %dma_start3A_74 : memref<1x128x128xf32, #tpu.memory_space<vmem>> -> memref<128x128xf32, #tpu.memory_space<vmem>>
    tpu.enqueue_dma source(%dma_start3A_75 : memref<128x128xf32, #tpu.memory_space<vmem>>) target(%dma_start3A_71 : memref<128x128xf32, #tpu.memory_space<hbm>>) target_semaphore(%arg12 : memref<!tpu.dma_semaphore, #tpu.memory_space<semaphore_mem>>)
    %scan3A = arith.constant 0 : i32
    %scan3A_76 = arith.constant 39 : i32
    %scan3A_77 = arith.addi %scan3A, %scan3A_76 : i32
    %scan3A_78 = arith.constant 1 : i32
    scf.for %scan3A_255 = %scan3A to %scan3A_77 step %scan3A_78  : i32 {
      %mul3A_256 = arith.constant 5 : i32
      %mul3A_257 = arith.muli %scan3A_255, %mul3A_256 : i32
      %add3A_258 = arith.constant 1 : i32
      %add3A_259 = arith.addi %add3A_258, %mul3A_257 : i32
      %add3A_260 = arith.constant 0 : i32
      %add3A_261 = arith.addi %add3A_259, %add3A_260 : i32
      %mul3A_262 = arith.constant 128 : i32
      %mul3A_263 = arith.muli %add3A_261, %mul3A_262 : i32
      %dma_wait3A_264 = arith.constant 1 : i32
      %dma_wait3A_265 = arith.constant 0 : i32
      %dma_wait3A_266 = arith.constant 0 : i32
      %dma_wait3A_267 = tpu.memref_slice %arg6[%dma_wait3A_264, %dma_wait3A_265, %dma_wait3A_266] : memref<5x128x128xf32, #tpu.memory_space<vmem>> -> memref<1x128x128xf32, #tpu.memory_space<vmem>>
      %dma_wait3A_268 = tpu.memref_squeeze %dma_wait3A_267 : memref<1x128x128xf32, #tpu.memory_space<vmem>> -> memref<128x128xf32, #tpu.memory_space<vmem>>
      %dma_wait3A_269 = tpu.memref_slice %arg5[%mul3A_263] : memref<25600xi32, #tpu.memory_space<vmem>> -> memref<128xi32, #tpu.memory_space<vmem>>
      %dma_wait3A_270 = arith.constant 0 : i32
      %dma_wait3A_271 = arith.constant 0 : i32
      %dma_wait3A_272 = tpu.memref_slice %arg3[%dma_wait3A_270, %dma_wait3A_271] : memref<100000x128xf32, #tpu.memory_space<hbm>> -> memref<100000x128xf32, #tpu.memory_space<hbm>>
      tpu.wait_indirect_dma semaphore(%arg8 : memref<!tpu.dma_semaphore, #tpu.memory_space<semaphore_mem>>) src(%dma_wait3A_272 : memref<100000x128xf32, #tpu.memory_space<hbm>>) dst(%dma_wait3A_268 : memref<128x128xf32, #tpu.memory_space<vmem>>)
      %mul3A_273 = arith.constant 128 : i32
      %mul3A_274 = arith.muli %add3A_261, %mul3A_273 : i32
      %add3A_275 = arith.addi %mul3A_2, %mul3A_274 : i32
      %dma_start3A_276 = arith.constant 1 : i32
      %dma_start3A_277 = arith.constant 0 : i32
      %dma_start3A_278 = arith.constant 0 : i32
      %dma_start3A_279 = tpu.memref_slice %arg6[%dma_start3A_276, %dma_start3A_277, %dma_start3A_278] : memref<5x128x128xf32, #tpu.memory_space<vmem>> -> memref<1x128x128xf32, #tpu.memory_space<vmem>>
      %dma_start3A_280 = tpu.memref_squeeze %dma_start3A_279 : memref<1x128x128xf32, #tpu.memory_space<vmem>> -> memref<128x128xf32, #tpu.memory_space<vmem>>
      %dma_start3A_281 = arith.constant 0 : i32
      %dma_start3A_282 = tpu.memref_slice %arg4[%add3A_275, %dma_start3A_281] : memref<819200x128xf32, #tpu.memory_space<hbm>> -> memref<128x128xf32, #tpu.memory_space<hbm>>
      %dma_start3A_283 = arith.constant 0 : i32
      %dma_start3A_284 = tpu.memref_slice %arg4[%add3A_275, %dma_start3A_283] : memref<819200x128xf32, #tpu.memory_space<hbm>> -> memref<128x128xf32, #tpu.memory_space<hbm>>
      %dma_start3A_285 = arith.constant 0 : i32
      %dma_start3A_286 = arith.constant 0 : i32
      %dma_start3A_287 = tpu.memref_slice %arg6[%dma_start3A_276, %dma_start3A_285, %dma_start3A_286] : memref<5x128x128xf32, #tpu.memory_space<vmem>> -> memref<1x128x128xf32, #tpu.memory_space<vmem>>
      %dma_start3A_288 = tpu.memref_squeeze %dma_start3A_287 : memref<1x128x128xf32, #tpu.memory_space<vmem>> -> memref<128x128xf32, #tpu.memory_space<vmem>>
      tpu.enqueue_dma source(%dma_start3A_288 : memref<128x128xf32, #tpu.memory_space<vmem>>) target(%dma_start3A_284 : memref<128x128xf32, #tpu.memory_space<hbm>>) target_semaphore(%arg13 : memref<!tpu.dma_semaphore, #tpu.memory_space<semaphore_mem>>)
      %sub3A = arith.constant 1 : i32
      %sub3A_289 = arith.subi %add3A_261, %sub3A : i32
      %mul3A_290 = arith.constant 128 : i32
      %mul3A_291 = arith.muli %sub3A_289, %mul3A_290 : i32
      %add3A_292 = arith.addi %mul3A_2, %mul3A_291 : i32
      %dma_wait3A_293 = arith.constant 0 : i32
      %dma_wait3A_294 = arith.constant 0 : i32
      %dma_wait3A_295 = arith.constant 0 : i32
      %dma_wait3A_296 = tpu.memref_slice %arg6[%dma_wait3A_293, %dma_wait3A_294, %dma_wait3A_295] : memref<5x128x128xf32, #tpu.memory_space<vmem>> -> memref<1x128x128xf32, #tpu.memory_space<vmem>>
      %dma_wait3A_297 = tpu.memref_squeeze %dma_wait3A_296 : memref<1x128x128xf32, #tpu.memory_space<vmem>> -> memref<128x128xf32, #tpu.memory_space<vmem>>
      %dma_wait3A_298 = arith.constant 0 : i32
      %dma_wait3A_299 = tpu.memref_slice %arg4[%add3A_292, %dma_wait3A_298] : memref<819200x128xf32, #tpu.memory_space<hbm>> -> memref<128x128xf32, #tpu.memory_space<hbm>>
      %dma_wait3A_300 = arith.constant 0 : i32
      %dma_wait3A_301 = tpu.memref_slice %arg4[%add3A_292, %dma_wait3A_300] : memref<819200x128xf32, #tpu.memory_space<hbm>> -> memref<128x128xf32, #tpu.memory_space<hbm>>
      %dma_wait3A_302 = arith.constant 0 : i32
      %dma_wait3A_303 = arith.constant 0 : i32
      %dma_wait3A_304 = tpu.memref_slice %arg6[%dma_wait3A_293, %dma_wait3A_302, %dma_wait3A_303] : memref<5x128x128xf32, #tpu.memory_space<vmem>> -> memref<1x128x128xf32, #tpu.memory_space<vmem>>
      %dma_wait3A_305 = tpu.memref_squeeze %dma_wait3A_304 : memref<1x128x128xf32, #tpu.memory_space<vmem>> -> memref<128x128xf32, #tpu.memory_space<vmem>>
      tpu.wait_dma2 semaphore(%arg12 : memref<!tpu.dma_semaphore, #tpu.memory_space<semaphore_mem>>) src(%dma_wait3A_305 : memref<128x128xf32, #tpu.memory_space<vmem>>) dst(%dma_wait3A_301 : memref<128x128xf32, #tpu.memory_space<hbm>>)
      %add3A_306 = arith.constant 5 : i32
      %add3A_307 = arith.addi %add3A_261, %add3A_306 : i32
      %sub3A_308 = arith.constant 1 : i32
      %sub3A_309 = arith.subi %add3A_307, %sub3A_308 : i32
      %mul3A_310 = arith.constant 128 : i32
      %mul3A_311 = arith.muli %sub3A_309, %mul3A_310 : i32
      %dma_start3A_312 = arith.constant 0 : i32
      %dma_start3A_313 = arith.constant 0 : i32
      %dma_start3A_314 = arith.constant 0 : i32
      %dma_start3A_315 = tpu.memref_slice %arg6[%dma_start3A_312, %dma_start3A_313, %dma_start3A_314] : memref<5x128x128xf32, #tpu.memory_space<vmem>> -> memref<1x128x128xf32, #tpu.memory_space<vmem>>
      %dma_start3A_316 = tpu.memref_squeeze %dma_start3A_315 : memref<1x128x128xf32, #tpu.memory_space<vmem>> -> memref<128x128xf32, #tpu.memory_space<vmem>>
      %dma_start3A_317 = tpu.memref_slice %arg5[%mul3A_311] : memref<25600xi32, #tpu.memory_space<vmem>> -> memref<128xi32, #tpu.memory_space<vmem>>
      %dma_start3A_318 = arith.constant 0 : i32
      %dma_start3A_319 = arith.constant 0 : i32
      %dma_start3A_320 = tpu.memref_slice %arg3[%dma_start3A_318, %dma_start3A_319] : memref<100000x128xf32, #tpu.memory_space<hbm>> -> memref<100000x128xf32, #tpu.memory_space<hbm>>
      tpu.enqueue_indirect_dma source(%dma_start3A_320 : memref<100000x128xf32, #tpu.memory_space<hbm>>) target(%dma_start3A_316 : memref<128x128xf32, #tpu.memory_space<vmem>>) offsets(%dma_start3A_317 : memref<128xi32, #tpu.memory_space<vmem>>) semaphore(%arg7 : memref<!tpu.dma_semaphore, #tpu.memory_space<semaphore_mem>>)
      %add3A_321 = arith.constant 1 : i32
      %add3A_322 = arith.addi %add3A_259, %add3A_321 : i32
      %mul3A_323 = arith.constant 128 : i32
      %mul3A_324 = arith.muli %add3A_322, %mul3A_323 : i32
      %dma_wait3A_325 = arith.constant 2 : i32
      %dma_wait3A_326 = arith.constant 0 : i32
      %dma_wait3A_327 = arith.constant 0 : i32
      %dma_wait3A_328 = tpu.memref_slice %arg6[%dma_wait3A_325, %dma_wait3A_326, %dma_wait3A_327] : memref<5x128x128xf32, #tpu.memory_space<vmem>> -> memref<1x128x128xf32, #tpu.memory_space<vmem>>
      %dma_wait3A_329 = tpu.memref_squeeze %dma_wait3A_328 : memref<1x128x128xf32, #tpu.memory_space<vmem>> -> memref<128x128xf32, #tpu.memory_space<vmem>>
      %dma_wait3A_330 = tpu.memref_slice %arg5[%mul3A_324] : memref<25600xi32, #tpu.memory_space<vmem>> -> memref<128xi32, #tpu.memory_space<vmem>>
      %dma_wait3A_331 = arith.constant 0 : i32
      %dma_wait3A_332 = arith.constant 0 : i32
      %dma_wait3A_333 = tpu.memref_slice %arg3[%dma_wait3A_331, %dma_wait3A_332] : memref<100000x128xf32, #tpu.memory_space<hbm>> -> memref<100000x128xf32, #tpu.memory_space<hbm>>
      tpu.wait_indirect_dma semaphore(%arg9 : memref<!tpu.dma_semaphore, #tpu.memory_space<semaphore_mem>>) src(%dma_wait3A_333 : memref<100000x128xf32, #tpu.memory_space<hbm>>) dst(%dma_wait3A_329 : memref<128x128xf32, #tpu.memory_space<vmem>>)
      %mul3A_334 = arith.constant 128 : i32
      %mul3A_335 = arith.muli %add3A_322, %mul3A_334 : i32
      %add3A_336 = arith.addi %mul3A_2, %mul3A_335 : i32
      %dma_start3A_337 = arith.constant 2 : i32
      %dma_start3A_338 = arith.constant 0 : i32
      %dma_start3A_339 = arith.constant 0 : i32
      %dma_start3A_340 = tpu.memref_slice %arg6[%dma_start3A_337, %dma_start3A_338, %dma_start3A_339] : memref<5x128x128xf32, #tpu.memory_space<vmem>> -> memref<1x128x128xf32, #tpu.memory_space<vmem>>
      %dma_start3A_341 = tpu.memref_squeeze %dma_start3A_340 : memref<1x128x128xf32, #tpu.memory_space<vmem>> -> memref<128x128xf32, #tpu.memory_space<vmem>>
      %dma_start3A_342 = arith.constant 0 : i32
      %dma_start3A_343 = tpu.memref_slice %arg4[%add3A_336, %dma_start3A_342] : memref<819200x128xf32, #tpu.memory_space<hbm>> -> memref<128x128xf32, #tpu.memory_space<hbm>>
      %dma_start3A_344 = arith.constant 0 : i32
      %dma_start3A_345 = tpu.memref_slice %arg4[%add3A_336, %dma_start3A_344] : memref<819200x128xf32, #tpu.memory_space<hbm>> -> memref<128x128xf32, #tpu.memory_space<hbm>>
      %dma_start3A_346 = arith.constant 0 : i32
      %dma_start3A_347 = arith.constant 0 : i32
      %dma_start3A_348 = tpu.memref_slice %arg6[%dma_start3A_337, %dma_start3A_346, %dma_start3A_347] : memref<5x128x128xf32, #tpu.memory_space<vmem>> -> memref<1x128x128xf32, #tpu.memory_space<vmem>>
      %dma_start3A_349 = tpu.memref_squeeze %dma_start3A_348 : memref<1x128x128xf32, #tpu.memory_space<vmem>> -> memref<128x128xf32, #tpu.memory_space<vmem>>
      tpu.enqueue_dma source(%dma_start3A_349 : memref<128x128xf32, #tpu.memory_space<vmem>>) target(%dma_start3A_345 : memref<128x128xf32, #tpu.memory_space<hbm>>) target_semaphore(%arg14 : memref<!tpu.dma_semaphore, #tpu.memory_space<semaphore_mem>>)
      %sub3A_350 = arith.constant 1 : i32
      %sub3A_351 = arith.subi %add3A_322, %sub3A_350 : i32
      %mul3A_352 = arith.constant 128 : i32
      %mul3A_353 = arith.muli %sub3A_351, %mul3A_352 : i32
      %add3A_354 = arith.addi %mul3A_2, %mul3A_353 : i32
      %dma_wait3A_355 = arith.constant 1 : i32
      %dma_wait3A_356 = arith.constant 0 : i32
      %dma_wait3A_357 = arith.constant 0 : i32
      %dma_wait3A_358 = tpu.memref_slice %arg6[%dma_wait3A_355, %dma_wait3A_356, %dma_wait3A_357] : memref<5x128x128xf32, #tpu.memory_space<vmem>> -> memref<1x128x128xf32, #tpu.memory_space<vmem>>
      %dma_wait3A_359 = tpu.memref_squeeze %dma_wait3A_358 : memref<1x128x128xf32, #tpu.memory_space<vmem>> -> memref<128x128xf32, #tpu.memory_space<vmem>>
      %dma_wait3A_360 = arith.constant 0 : i32
      %dma_wait3A_361 = tpu.memref_slice %arg4[%add3A_354, %dma_wait3A_360] : memref<819200x128xf32, #tpu.memory_space<hbm>> -> memref<128x128xf32, #tpu.memory_space<hbm>>
      %dma_wait3A_362 = arith.constant 0 : i32
      %dma_wait3A_363 = tpu.memref_slice %arg4[%add3A_354, %dma_wait3A_362] : memref<819200x128xf32, #tpu.memory_space<hbm>> -> memref<128x128xf32, #tpu.memory_space<hbm>>
      %dma_wait3A_364 = arith.constant 0 : i32
      %dma_wait3A_365 = arith.constant 0 : i32
      %dma_wait3A_366 = tpu.memref_slice %arg6[%dma_wait3A_355, %dma_wait3A_364, %dma_wait3A_365] : memref<5x128x128xf32, #tpu.memory_space<vmem>> -> memref<1x128x128xf32, #tpu.memory_space<vmem>>
      %dma_wait3A_367 = tpu.memref_squeeze %dma_wait3A_366 : memref<1x128x128xf32, #tpu.memory_space<vmem>> -> memref<128x128xf32, #tpu.memory_space<vmem>>
      tpu.wait_dma2 semaphore(%arg13 : memref<!tpu.dma_semaphore, #tpu.memory_space<semaphore_mem>>) src(%dma_wait3A_367 : memref<128x128xf32, #tpu.memory_space<vmem>>) dst(%dma_wait3A_363 : memref<128x128xf32, #tpu.memory_space<hbm>>)
      %add3A_368 = arith.constant 5 : i32
      %add3A_369 = arith.addi %add3A_322, %add3A_368 : i32
      %sub3A_370 = arith.constant 1 : i32
      %sub3A_371 = arith.subi %add3A_369, %sub3A_370 : i32
      %mul3A_372 = arith.constant 128 : i32
      %mul3A_373 = arith.muli %sub3A_371, %mul3A_372 : i32
      %dma_start3A_374 = arith.constant 1 : i32
      %dma_start3A_375 = arith.constant 0 : i32
      %dma_start3A_376 = arith.constant 0 : i32
      %dma_start3A_377 = tpu.memref_slice %arg6[%dma_start3A_374, %dma_start3A_375, %dma_start3A_376] : memref<5x128x128xf32, #tpu.memory_space<vmem>> -> memref<1x128x128xf32, #tpu.memory_space<vmem>>
      %dma_start3A_378 = tpu.memref_squeeze %dma_start3A_377 : memref<1x128x128xf32, #tpu.memory_space<vmem>> -> memref<128x128xf32, #tpu.memory_space<vmem>>
      %dma_start3A_379 = tpu.memref_slice %arg5[%mul3A_373] : memref<25600xi32, #tpu.memory_space<vmem>> -> memref<128xi32, #tpu.memory_space<vmem>>
      %dma_start3A_380 = arith.constant 0 : i32
      %dma_start3A_381 = arith.constant 0 : i32
      %dma_start3A_382 = tpu.memref_slice %arg3[%dma_start3A_380, %dma_start3A_381] : memref<100000x128xf32, #tpu.memory_space<hbm>> -> memref<100000x128xf32, #tpu.memory_space<hbm>>
      tpu.enqueue_indirect_dma source(%dma_start3A_382 : memref<100000x128xf32, #tpu.memory_space<hbm>>) target(%dma_start3A_378 : memref<128x128xf32, #tpu.memory_space<vmem>>) offsets(%dma_start3A_379 : memref<128xi32, #tpu.memory_space<vmem>>) semaphore(%arg8 : memref<!tpu.dma_semaphore, #tpu.memory_space<semaphore_mem>>)
      %add3A_383 = arith.constant 2 : i32
      %add3A_384 = arith.addi %add3A_259, %add3A_383 : i32
      %mul3A_385 = arith.constant 128 : i32
      %mul3A_386 = arith.muli %add3A_384, %mul3A_385 : i32
      %dma_wait3A_387 = arith.constant 3 : i32
      %dma_wait3A_388 = arith.constant 0 : i32
      %dma_wait3A_389 = arith.constant 0 : i32
      %dma_wait3A_390 = tpu.memref_slice %arg6[%dma_wait3A_387, %dma_wait3A_388, %dma_wait3A_389] : memref<5x128x128xf32, #tpu.memory_space<vmem>> -> memref<1x128x128xf32, #tpu.memory_space<vmem>>
      %dma_wait3A_391 = tpu.memref_squeeze %dma_wait3A_390 : memref<1x128x128xf32, #tpu.memory_space<vmem>> -> memref<128x128xf32, #tpu.memory_space<vmem>>
      %dma_wait3A_392 = tpu.memref_slice %arg5[%mul3A_386] : memref<25600xi32, #tpu.memory_space<vmem>> -> memref<128xi32, #tpu.memory_space<vmem>>
      %dma_wait3A_393 = arith.constant 0 : i32
      %dma_wait3A_394 = arith.constant 0 : i32
      %dma_wait3A_395 = tpu.memref_slice %arg3[%dma_wait3A_393, %dma_wait3A_394] : memref<100000x128xf32, #tpu.memory_space<hbm>> -> memref<100000x128xf32, #tpu.memory_space<hbm>>
      tpu.wait_indirect_dma semaphore(%arg10 : memref<!tpu.dma_semaphore, #tpu.memory_space<semaphore_mem>>) src(%dma_wait3A_395 : memref<100000x128xf32, #tpu.memory_space<hbm>>) dst(%dma_wait3A_391 : memref<128x128xf32, #tpu.memory_space<vmem>>)
      %mul3A_396 = arith.constant 128 : i32
      %mul3A_397 = arith.muli %add3A_384, %mul3A_396 : i32
      %add3A_398 = arith.addi %mul3A_2, %mul3A_397 : i32
      %dma_start3A_399 = arith.constant 3 : i32
      %dma_start3A_400 = arith.constant 0 : i32
      %dma_start3A_401 = arith.constant 0 : i32
      %dma_start3A_402 = tpu.memref_slice %arg6[%dma_start3A_399, %dma_start3A_400, %dma_start3A_401] : memref<5x128x128xf32, #tpu.memory_space<vmem>> -> memref<1x128x128xf32, #tpu.memory_space<vmem>>
      %dma_start3A_403 = tpu.memref_squeeze %dma_start3A_402 : memref<1x128x128xf32, #tpu.memory_space<vmem>> -> memref<128x128xf32, #tpu.memory_space<vmem>>
      %dma_start3A_404 = arith.constant 0 : i32
      %dma_start3A_405 = tpu.memref_slice %arg4[%add3A_398, %dma_start3A_404] : memref<819200x128xf32, #tpu.memory_space<hbm>> -> memref<128x128xf32, #tpu.memory_space<hbm>>
      %dma_start3A_406 = arith.constant 0 : i32
      %dma_start3A_407 = tpu.memref_slice %arg4[%add3A_398, %dma_start3A_406] : memref<819200x128xf32, #tpu.memory_space<hbm>> -> memref<128x128xf32, #tpu.memory_space<hbm>>
      %dma_start3A_408 = arith.constant 0 : i32
      %dma_start3A_409 = arith.constant 0 : i32
      %dma_start3A_410 = tpu.memref_slice %arg6[%dma_start3A_399, %dma_start3A_408, %dma_start3A_409] : memref<5x128x128xf32, #tpu.memory_space<vmem>> -> memref<1x128x128xf32, #tpu.memory_space<vmem>>
      %dma_start3A_411 = tpu.memref_squeeze %dma_start3A_410 : memref<1x128x128xf32, #tpu.memory_space<vmem>> -> memref<128x128xf32, #tpu.memory_space<vmem>>
      tpu.enqueue_dma source(%dma_start3A_411 : memref<128x128xf32, #tpu.memory_space<vmem>>) target(%dma_start3A_407 : memref<128x128xf32, #tpu.memory_space<hbm>>) target_semaphore(%arg15 : memref<!tpu.dma_semaphore, #tpu.memory_space<semaphore_mem>>)
      %sub3A_412 = arith.constant 1 : i32
      %sub3A_413 = arith.subi %add3A_384, %sub3A_412 : i32
      %mul3A_414 = arith.constant 128 : i32
      %mul3A_415 = arith.muli %sub3A_413, %mul3A_414 : i32
      %add3A_416 = arith.addi %mul3A_2, %mul3A_415 : i32
      %dma_wait3A_417 = arith.constant 2 : i32
      %dma_wait3A_418 = arith.constant 0 : i32
      %dma_wait3A_419 = arith.constant 0 : i32
      %dma_wait3A_420 = tpu.memref_slice %arg6[%dma_wait3A_417, %dma_wait3A_418, %dma_wait3A_419] : memref<5x128x128xf32, #tpu.memory_space<vmem>> -> memref<1x128x128xf32, #tpu.memory_space<vmem>>
      %dma_wait3A_421 = tpu.memref_squeeze %dma_wait3A_420 : memref<1x128x128xf32, #tpu.memory_space<vmem>> -> memref<128x128xf32, #tpu.memory_space<vmem>>
      %dma_wait3A_422 = arith.constant 0 : i32
      %dma_wait3A_423 = tpu.memref_slice %arg4[%add3A_416, %dma_wait3A_422] : memref<819200x128xf32, #tpu.memory_space<hbm>> -> memref<128x128xf32, #tpu.memory_space<hbm>>
      %dma_wait3A_424 = arith.constant 0 : i32
      %dma_wait3A_425 = tpu.memref_slice %arg4[%add3A_416, %dma_wait3A_424] : memref<819200x128xf32, #tpu.memory_space<hbm>> -> memref<128x128xf32, #tpu.memory_space<hbm>>
      %dma_wait3A_426 = arith.constant 0 : i32
      %dma_wait3A_427 = arith.constant 0 : i32
      %dma_wait3A_428 = tpu.memref_slice %arg6[%dma_wait3A_417, %dma_wait3A_426, %dma_wait3A_427] : memref<5x128x128xf32, #tpu.memory_space<vmem>> -> memref<1x128x128xf32, #tpu.memory_space<vmem>>
      %dma_wait3A_429 = tpu.memref_squeeze %dma_wait3A_428 : memref<1x128x128xf32, #tpu.memory_space<vmem>> -> memref<128x128xf32, #tpu.memory_space<vmem>>
      tpu.wait_dma2 semaphore(%arg14 : memref<!tpu.dma_semaphore, #tpu.memory_space<semaphore_mem>>) src(%dma_wait3A_429 : memref<128x128xf32, #tpu.memory_space<vmem>>) dst(%dma_wait3A_425 : memref<128x128xf32, #tpu.memory_space<hbm>>)
      %add3A_430 = arith.constant 5 : i32
      %add3A_431 = arith.addi %add3A_384, %add3A_430 : i32
      %sub3A_432 = arith.constant 1 : i32
      %sub3A_433 = arith.subi %add3A_431, %sub3A_432 : i32
      %mul3A_434 = arith.constant 128 : i32
      %mul3A_435 = arith.muli %sub3A_433, %mul3A_434 : i32
      %dma_start3A_436 = arith.constant 2 : i32
      %dma_start3A_437 = arith.constant 0 : i32
      %dma_start3A_438 = arith.constant 0 : i32
      %dma_start3A_439 = tpu.memref_slice %arg6[%dma_start3A_436, %dma_start3A_437, %dma_start3A_438] : memref<5x128x128xf32, #tpu.memory_space<vmem>> -> memref<1x128x128xf32, #tpu.memory_space<vmem>>
      %dma_start3A_440 = tpu.memref_squeeze %dma_start3A_439 : memref<1x128x128xf32, #tpu.memory_space<vmem>> -> memref<128x128xf32, #tpu.memory_space<vmem>>
      %dma_start3A_441 = tpu.memref_slice %arg5[%mul3A_435] : memref<25600xi32, #tpu.memory_space<vmem>> -> memref<128xi32, #tpu.memory_space<vmem>>
      %dma_start3A_442 = arith.constant 0 : i32
      %dma_start3A_443 = arith.constant 0 : i32
      %dma_start3A_444 = tpu.memref_slice %arg3[%dma_start3A_442, %dma_start3A_443] : memref<100000x128xf32, #tpu.memory_space<hbm>> -> memref<100000x128xf32, #tpu.memory_space<hbm>>
      tpu.enqueue_indirect_dma source(%dma_start3A_444 : memref<100000x128xf32, #tpu.memory_space<hbm>>) target(%dma_start3A_440 : memref<128x128xf32, #tpu.memory_space<vmem>>) offsets(%dma_start3A_441 : memref<128xi32, #tpu.memory_space<vmem>>) semaphore(%arg9 : memref<!tpu.dma_semaphore, #tpu.memory_space<semaphore_mem>>)
      %add3A_445 = arith.constant 3 : i32
      %add3A_446 = arith.addi %add3A_259, %add3A_445 : i32
      %mul3A_447 = arith.constant 128 : i32
      %mul3A_448 = arith.muli %add3A_446, %mul3A_447 : i32
      %dma_wait3A_449 = arith.constant 4 : i32
      %dma_wait3A_450 = arith.constant 0 : i32
      %dma_wait3A_451 = arith.constant 0 : i32
      %dma_wait3A_452 = tpu.memref_slice %arg6[%dma_wait3A_449, %dma_wait3A_450, %dma_wait3A_451] : memref<5x128x128xf32, #tpu.memory_space<vmem>> -> memref<1x128x128xf32, #tpu.memory_space<vmem>>
      %dma_wait3A_453 = tpu.memref_squeeze %dma_wait3A_452 : memref<1x128x128xf32, #tpu.memory_space<vmem>> -> memref<128x128xf32, #tpu.memory_space<vmem>>
      %dma_wait3A_454 = tpu.memref_slice %arg5[%mul3A_448] : memref<25600xi32, #tpu.memory_space<vmem>> -> memref<128xi32, #tpu.memory_space<vmem>>
      %dma_wait3A_455 = arith.constant 0 : i32
      %dma_wait3A_456 = arith.constant 0 : i32
      %dma_wait3A_457 = tpu.memref_slice %arg3[%dma_wait3A_455, %dma_wait3A_456] : memref<100000x128xf32, #tpu.memory_space<hbm>> -> memref<100000x128xf32, #tpu.memory_space<hbm>>
      tpu.wait_indirect_dma semaphore(%arg11 : memref<!tpu.dma_semaphore, #tpu.memory_space<semaphore_mem>>) src(%dma_wait3A_457 : memref<100000x128xf32, #tpu.memory_space<hbm>>) dst(%dma_wait3A_453 : memref<128x128xf32, #tpu.memory_space<vmem>>)
      %mul3A_458 = arith.constant 128 : i32
      %mul3A_459 = arith.muli %add3A_446, %mul3A_458 : i32
      %add3A_460 = arith.addi %mul3A_2, %mul3A_459 : i32
      %dma_start3A_461 = arith.constant 4 : i32
      %dma_start3A_462 = arith.constant 0 : i32
      %dma_start3A_463 = arith.constant 0 : i32
      %dma_start3A_464 = tpu.memref_slice %arg6[%dma_start3A_461, %dma_start3A_462, %dma_start3A_463] : memref<5x128x128xf32, #tpu.memory_space<vmem>> -> memref<1x128x128xf32, #tpu.memory_space<vmem>>
      %dma_start3A_465 = tpu.memref_squeeze %dma_start3A_464 : memref<1x128x128xf32, #tpu.memory_space<vmem>> -> memref<128x128xf32, #tpu.memory_space<vmem>>
      %dma_start3A_466 = arith.constant 0 : i32
      %dma_start3A_467 = tpu.memref_slice %arg4[%add3A_460, %dma_start3A_466] : memref<819200x128xf32, #tpu.memory_space<hbm>> -> memref<128x128xf32, #tpu.memory_space<hbm>>
      %dma_start3A_468 = arith.constant 0 : i32
      %dma_start3A_469 = tpu.memref_slice %arg4[%add3A_460, %dma_start3A_468] : memref<819200x128xf32, #tpu.memory_space<hbm>> -> memref<128x128xf32, #tpu.memory_space<hbm>>
      %dma_start3A_470 = arith.constant 0 : i32
      %dma_start3A_471 = arith.constant 0 : i32
      %dma_start3A_472 = tpu.memref_slice %arg6[%dma_start3A_461, %dma_start3A_470, %dma_start3A_471] : memref<5x128x128xf32, #tpu.memory_space<vmem>> -> memref<1x128x128xf32, #tpu.memory_space<vmem>>
      %dma_start3A_473 = tpu.memref_squeeze %dma_start3A_472 : memref<1x128x128xf32, #tpu.memory_space<vmem>> -> memref<128x128xf32, #tpu.memory_space<vmem>>
      tpu.enqueue_dma source(%dma_start3A_473 : memref<128x128xf32, #tpu.memory_space<vmem>>) target(%dma_start3A_469 : memref<128x128xf32, #tpu.memory_space<hbm>>) target_semaphore(%arg16 : memref<!tpu.dma_semaphore, #tpu.memory_space<semaphore_mem>>)
      %sub3A_474 = arith.constant 1 : i32
      %sub3A_475 = arith.subi %add3A_446, %sub3A_474 : i32
      %mul3A_476 = arith.constant 128 : i32
      %mul3A_477 = arith.muli %sub3A_475, %mul3A_476 : i32
      %add3A_478 = arith.addi %mul3A_2, %mul3A_477 : i32
      %dma_wait3A_479 = arith.constant 3 : i32
      %dma_wait3A_480 = arith.constant 0 : i32
      %dma_wait3A_481 = arith.constant 0 : i32
      %dma_wait3A_482 = tpu.memref_slice %arg6[%dma_wait3A_479, %dma_wait3A_480, %dma_wait3A_481] : memref<5x128x128xf32, #tpu.memory_space<vmem>> -> memref<1x128x128xf32, #tpu.memory_space<vmem>>
      %dma_wait3A_483 = tpu.memref_squeeze %dma_wait3A_482 : memref<1x128x128xf32, #tpu.memory_space<vmem>> -> memref<128x128xf32, #tpu.memory_space<vmem>>
      %dma_wait3A_484 = arith.constant 0 : i32
      %dma_wait3A_485 = tpu.memref_slice %arg4[%add3A_478, %dma_wait3A_484] : memref<819200x128xf32, #tpu.memory_space<hbm>> -> memref<128x128xf32, #tpu.memory_space<hbm>>
      %dma_wait3A_486 = arith.constant 0 : i32
      %dma_wait3A_487 = tpu.memref_slice %arg4[%add3A_478, %dma_wait3A_486] : memref<819200x128xf32, #tpu.memory_space<hbm>> -> memref<128x128xf32, #tpu.memory_space<hbm>>
      %dma_wait3A_488 = arith.constant 0 : i32
      %dma_wait3A_489 = arith.constant 0 : i32
      %dma_wait3A_490 = tpu.memref_slice %arg6[%dma_wait3A_479, %dma_wait3A_488, %dma_wait3A_489] : memref<5x128x128xf32, #tpu.memory_space<vmem>> -> memref<1x128x128xf32, #tpu.memory_space<vmem>>
      %dma_wait3A_491 = tpu.memref_squeeze %dma_wait3A_490 : memref<1x128x128xf32, #tpu.memory_space<vmem>> -> memref<128x128xf32, #tpu.memory_space<vmem>>
      tpu.wait_dma2 semaphore(%arg15 : memref<!tpu.dma_semaphore, #tpu.memory_space<semaphore_mem>>) src(%dma_wait3A_491 : memref<128x128xf32, #tpu.memory_space<vmem>>) dst(%dma_wait3A_487 : memref<128x128xf32, #tpu.memory_space<hbm>>)
      %add3A_492 = arith.constant 5 : i32
      %add3A_493 = arith.addi %add3A_446, %add3A_492 : i32
      %sub3A_494 = arith.constant 1 : i32
      %sub3A_495 = arith.subi %add3A_493, %sub3A_494 : i32
      %mul3A_496 = arith.constant 128 : i32
      %mul3A_497 = arith.muli %sub3A_495, %mul3A_496 : i32
      %dma_start3A_498 = arith.constant 3 : i32
      %dma_start3A_499 = arith.constant 0 : i32
      %dma_start3A_500 = arith.constant 0 : i32
      %dma_start3A_501 = tpu.memref_slice %arg6[%dma_start3A_498, %dma_start3A_499, %dma_start3A_500] : memref<5x128x128xf32, #tpu.memory_space<vmem>> -> memref<1x128x128xf32, #tpu.memory_space<vmem>>
      %dma_start3A_502 = tpu.memref_squeeze %dma_start3A_501 : memref<1x128x128xf32, #tpu.memory_space<vmem>> -> memref<128x128xf32, #tpu.memory_space<vmem>>
      %dma_start3A_503 = tpu.memref_slice %arg5[%mul3A_497] : memref<25600xi32, #tpu.memory_space<vmem>> -> memref<128xi32, #tpu.memory_space<vmem>>
      %dma_start3A_504 = arith.constant 0 : i32
      %dma_start3A_505 = arith.constant 0 : i32
      %dma_start3A_506 = tpu.memref_slice %arg3[%dma_start3A_504, %dma_start3A_505] : memref<100000x128xf32, #tpu.memory_space<hbm>> -> memref<100000x128xf32, #tpu.memory_space<hbm>>
      tpu.enqueue_indirect_dma source(%dma_start3A_506 : memref<100000x128xf32, #tpu.memory_space<hbm>>) target(%dma_start3A_502 : memref<128x128xf32, #tpu.memory_space<vmem>>) offsets(%dma_start3A_503 : memref<128xi32, #tpu.memory_space<vmem>>) semaphore(%arg10 : memref<!tpu.dma_semaphore, #tpu.memory_space<semaphore_mem>>)
      %add3A_507 = arith.constant 4 : i32
      %add3A_508 = arith.addi %add3A_259, %add3A_507 : i32
      %mul3A_509 = arith.constant 128 : i32
      %mul3A_510 = arith.muli %add3A_508, %mul3A_509 : i32
      %dma_wait3A_511 = arith.constant 0 : i32
      %dma_wait3A_512 = arith.constant 0 : i32
      %dma_wait3A_513 = arith.constant 0 : i32
      %dma_wait3A_514 = tpu.memref_slice %arg6[%dma_wait3A_511, %dma_wait3A_512, %dma_wait3A_513] : memref<5x128x128xf32, #tpu.memory_space<vmem>> -> memref<1x128x128xf32, #tpu.memory_space<vmem>>
      %dma_wait3A_515 = tpu.memref_squeeze %dma_wait3A_514 : memref<1x128x128xf32, #tpu.memory_space<vmem>> -> memref<128x128xf32, #tpu.memory_space<vmem>>
      %dma_wait3A_516 = tpu.memref_slice %arg5[%mul3A_510] : memref<25600xi32, #tpu.memory_space<vmem>> -> memref<128xi32, #tpu.memory_space<vmem>>
      %dma_wait3A_517 = arith.constant 0 : i32
      %dma_wait3A_518 = arith.constant 0 : i32
      %dma_wait3A_519 = tpu.memref_slice %arg3[%dma_wait3A_517, %dma_wait3A_518] : memref<100000x128xf32, #tpu.memory_space<hbm>> -> memref<100000x128xf32, #tpu.memory_space<hbm>>
      tpu.wait_indirect_dma semaphore(%arg7 : memref<!tpu.dma_semaphore, #tpu.memory_space<semaphore_mem>>) src(%dma_wait3A_519 : memref<100000x128xf32, #tpu.memory_space<hbm>>) dst(%dma_wait3A_515 : memref<128x128xf32, #tpu.memory_space<vmem>>)
      %mul3A_520 = arith.constant 128 : i32
      %mul3A_521 = arith.muli %add3A_508, %mul3A_520 : i32
      %add3A_522 = arith.addi %mul3A_2, %mul3A_521 : i32
      %dma_start3A_523 = arith.constant 0 : i32
      %dma_start3A_524 = arith.constant 0 : i32
      %dma_start3A_525 = arith.constant 0 : i32
      %dma_start3A_526 = tpu.memref_slice %arg6[%dma_start3A_523, %dma_start3A_524, %dma_start3A_525] : memref<5x128x128xf32, #tpu.memory_space<vmem>> -> memref<1x128x128xf32, #tpu.memory_space<vmem>>
      %dma_start3A_527 = tpu.memref_squeeze %dma_start3A_526 : memref<1x128x128xf32, #tpu.memory_space<vmem>> -> memref<128x128xf32, #tpu.memory_space<vmem>>
      %dma_start3A_528 = arith.constant 0 : i32
      %dma_start3A_529 = tpu.memref_slice %arg4[%add3A_522, %dma_start3A_528] : memref<819200x128xf32, #tpu.memory_space<hbm>> -> memref<128x128xf32, #tpu.memory_space<hbm>>
      %dma_start3A_530 = arith.constant 0 : i32
      %dma_start3A_531 = tpu.memref_slice %arg4[%add3A_522, %dma_start3A_530] : memref<819200x128xf32, #tpu.memory_space<hbm>> -> memref<128x128xf32, #tpu.memory_space<hbm>>
      %dma_start3A_532 = arith.constant 0 : i32
      %dma_start3A_533 = arith.constant 0 : i32
      %dma_start3A_534 = tpu.memref_slice %arg6[%dma_start3A_523, %dma_start3A_532, %dma_start3A_533] : memref<5x128x128xf32, #tpu.memory_space<vmem>> -> memref<1x128x128xf32, #tpu.memory_space<vmem>>
      %dma_start3A_535 = tpu.memref_squeeze %dma_start3A_534 : memref<1x128x128xf32, #tpu.memory_space<vmem>> -> memref<128x128xf32, #tpu.memory_space<vmem>>
      tpu.enqueue_dma source(%dma_start3A_535 : memref<128x128xf32, #tpu.memory_space<vmem>>) target(%dma_start3A_531 : memref<128x128xf32, #tpu.memory_space<hbm>>) target_semaphore(%arg12 : memref<!tpu.dma_semaphore, #tpu.memory_space<semaphore_mem>>)
      %sub3A_536 = arith.constant 1 : i32
      %sub3A_537 = arith.subi %add3A_508, %sub3A_536 : i32
      %mul3A_538 = arith.constant 128 : i32
      %mul3A_539 = arith.muli %sub3A_537, %mul3A_538 : i32
      %add3A_540 = arith.addi %mul3A_2, %mul3A_539 : i32
      %dma_wait3A_541 = arith.constant 4 : i32
      %dma_wait3A_542 = arith.constant 0 : i32
      %dma_wait3A_543 = arith.constant 0 : i32
      %dma_wait3A_544 = tpu.memref_slice %arg6[%dma_wait3A_541, %dma_wait3A_542, %dma_wait3A_543] : memref<5x128x128xf32, #tpu.memory_space<vmem>> -> memref<1x128x128xf32, #tpu.memory_space<vmem>>
      %dma_wait3A_545 = tpu.memref_squeeze %dma_wait3A_544 : memref<1x128x128xf32, #tpu.memory_space<vmem>> -> memref<128x128xf32, #tpu.memory_space<vmem>>
      %dma_wait3A_546 = arith.constant 0 : i32
      %dma_wait3A_547 = tpu.memref_slice %arg4[%add3A_540, %dma_wait3A_546] : memref<819200x128xf32, #tpu.memory_space<hbm>> -> memref<128x128xf32, #tpu.memory_space<hbm>>
      %dma_wait3A_548 = arith.constant 0 : i32
      %dma_wait3A_549 = tpu.memref_slice %arg4[%add3A_540, %dma_wait3A_548] : memref<819200x128xf32, #tpu.memory_space<hbm>> -> memref<128x128xf32, #tpu.memory_space<hbm>>
      %dma_wait3A_550 = arith.constant 0 : i32
      %dma_wait3A_551 = arith.constant 0 : i32
      %dma_wait3A_552 = tpu.memref_slice %arg6[%dma_wait3A_541, %dma_wait3A_550, %dma_wait3A_551] : memref<5x128x128xf32, #tpu.memory_space<vmem>> -> memref<1x128x128xf32, #tpu.memory_space<vmem>>
      %dma_wait3A_553 = tpu.memref_squeeze %dma_wait3A_552 : memref<1x128x128xf32, #tpu.memory_space<vmem>> -> memref<128x128xf32, #tpu.memory_space<vmem>>
      tpu.wait_dma2 semaphore(%arg16 : memref<!tpu.dma_semaphore, #tpu.memory_space<semaphore_mem>>) src(%dma_wait3A_553 : memref<128x128xf32, #tpu.memory_space<vmem>>) dst(%dma_wait3A_549 : memref<128x128xf32, #tpu.memory_space<hbm>>)
      %add3A_554 = arith.constant 5 : i32
      %add3A_555 = arith.addi %add3A_508, %add3A_554 : i32
      %sub3A_556 = arith.constant 1 : i32
      %sub3A_557 = arith.subi %add3A_555, %sub3A_556 : i32
      %mul3A_558 = arith.constant 128 : i32
      %mul3A_559 = arith.muli %sub3A_557, %mul3A_558 : i32
      %dma_start3A_560 = arith.constant 4 : i32
      %dma_start3A_561 = arith.constant 0 : i32
      %dma_start3A_562 = arith.constant 0 : i32
      %dma_start3A_563 = tpu.memref_slice %arg6[%dma_start3A_560, %dma_start3A_561, %dma_start3A_562] : memref<5x128x128xf32, #tpu.memory_space<vmem>> -> memref<1x128x128xf32, #tpu.memory_space<vmem>>
      %dma_start3A_564 = tpu.memref_squeeze %dma_start3A_563 : memref<1x128x128xf32, #tpu.memory_space<vmem>> -> memref<128x128xf32, #tpu.memory_space<vmem>>
      %dma_start3A_565 = tpu.memref_slice %arg5[%mul3A_559] : memref<25600xi32, #tpu.memory_space<vmem>> -> memref<128xi32, #tpu.memory_space<vmem>>
      %dma_start3A_566 = arith.constant 0 : i32
      %dma_start3A_567 = arith.constant 0 : i32
      %dma_start3A_568 = tpu.memref_slice %arg3[%dma_start3A_566, %dma_start3A_567] : memref<100000x128xf32, #tpu.memory_space<hbm>> -> memref<100000x128xf32, #tpu.memory_space<hbm>>
      tpu.enqueue_indirect_dma source(%dma_start3A_568 : memref<100000x128xf32, #tpu.memory_space<hbm>>) target(%dma_start3A_564 : memref<128x128xf32, #tpu.memory_space<vmem>>) offsets(%dma_start3A_565 : memref<128xi32, #tpu.memory_space<vmem>>) semaphore(%arg11 : memref<!tpu.dma_semaphore, #tpu.memory_space<semaphore_mem>>)
    }
    %scan3A_79 = arith.constant 39 : i32
    %dma_wait3A_80 = arith.constant 1 : i32
    %dma_wait3A_81 = arith.constant 0 : i32
    %dma_wait3A_82 = arith.constant 0 : i32
    %dma_wait3A_83 = tpu.memref_slice %arg6[%dma_wait3A_80, %dma_wait3A_81, %dma_wait3A_82] : memref<5x128x128xf32, #tpu.memory_space<vmem>> -> memref<1x128x128xf32, #tpu.memory_space<vmem>>
    %dma_wait3A_84 = tpu.memref_squeeze %dma_wait3A_83 : memref<1x128x128xf32, #tpu.memory_space<vmem>> -> memref<128x128xf32, #tpu.memory_space<vmem>>
    %dma_wait3A_85 = arith.constant 25088 : i32
    %dma_wait3A_86 = tpu.memref_slice %arg5[%dma_wait3A_85] : memref<25600xi32, #tpu.memory_space<vmem>> -> memref<128xi32, #tpu.memory_space<vmem>>
    %dma_wait3A_87 = arith.constant 0 : i32
    %dma_wait3A_88 = arith.constant 0 : i32
    %dma_wait3A_89 = tpu.memref_slice %arg3[%dma_wait3A_87, %dma_wait3A_88] : memref<100000x128xf32, #tpu.memory_space<hbm>> -> memref<100000x128xf32, #tpu.memory_space<hbm>>
    tpu.wait_indirect_dma semaphore(%arg8 : memref<!tpu.dma_semaphore, #tpu.memory_space<semaphore_mem>>) src(%dma_wait3A_89 : memref<100000x128xf32, #tpu.memory_space<hbm>>) dst(%dma_wait3A_84 : memref<128x128xf32, #tpu.memory_space<vmem>>)
    %add3A_90 = arith.constant 25088 : i32
    %add3A_91 = arith.addi %mul3A_2, %add3A_90 : i32
    %dma_start3A_92 = arith.constant 1 : i32
    %dma_start3A_93 = arith.constant 0 : i32
    %dma_start3A_94 = arith.constant 0 : i32
    %dma_start3A_95 = tpu.memref_slice %arg6[%dma_start3A_92, %dma_start3A_93, %dma_start3A_94] : memref<5x128x128xf32, #tpu.memory_space<vmem>> -> memref<1x128x128xf32, #tpu.memory_space<vmem>>
    %dma_start3A_96 = tpu.memref_squeeze %dma_start3A_95 : memref<1x128x128xf32, #tpu.memory_space<vmem>> -> memref<128x128xf32, #tpu.memory_space<vmem>>
    %dma_start3A_97 = arith.constant 0 : i32
    %dma_start3A_98 = tpu.memref_slice %arg4[%add3A_91, %dma_start3A_97] : memref<819200x128xf32, #tpu.memory_space<hbm>> -> memref<128x128xf32, #tpu.memory_space<hbm>>
    %dma_start3A_99 = arith.constant 0 : i32
    %dma_start3A_100 = tpu.memref_slice %arg4[%add3A_91, %dma_start3A_99] : memref<819200x128xf32, #tpu.memory_space<hbm>> -> memref<128x128xf32, #tpu.memory_space<hbm>>
    %dma_start3A_101 = arith.constant 0 : i32
    %dma_start3A_102 = arith.constant 0 : i32
    %dma_start3A_103 = tpu.memref_slice %arg6[%dma_start3A_92, %dma_start3A_101, %dma_start3A_102] : memref<5x128x128xf32, #tpu.memory_space<vmem>> -> memref<1x128x128xf32, #tpu.memory_space<vmem>>
    %dma_start3A_104 = tpu.memref_squeeze %dma_start3A_103 : memref<1x128x128xf32, #tpu.memory_space<vmem>> -> memref<128x128xf32, #tpu.memory_space<vmem>>
    tpu.enqueue_dma source(%dma_start3A_104 : memref<128x128xf32, #tpu.memory_space<vmem>>) target(%dma_start3A_100 : memref<128x128xf32, #tpu.memory_space<hbm>>) target_semaphore(%arg13 : memref<!tpu.dma_semaphore, #tpu.memory_space<semaphore_mem>>)
    %dma_wait3A_105 = arith.constant 2 : i32
    %dma_wait3A_106 = arith.constant 0 : i32
    %dma_wait3A_107 = arith.constant 0 : i32
    %dma_wait3A_108 = tpu.memref_slice %arg6[%dma_wait3A_105, %dma_wait3A_106, %dma_wait3A_107] : memref<5x128x128xf32, #tpu.memory_space<vmem>> -> memref<1x128x128xf32, #tpu.memory_space<vmem>>
    %dma_wait3A_109 = tpu.memref_squeeze %dma_wait3A_108 : memref<1x128x128xf32, #tpu.memory_space<vmem>> -> memref<128x128xf32, #tpu.memory_space<vmem>>
    %dma_wait3A_110 = arith.constant 25216 : i32
    %dma_wait3A_111 = tpu.memref_slice %arg5[%dma_wait3A_110] : memref<25600xi32, #tpu.memory_space<vmem>> -> memref<128xi32, #tpu.memory_space<vmem>>
    %dma_wait3A_112 = arith.constant 0 : i32
    %dma_wait3A_113 = arith.constant 0 : i32
    %dma_wait3A_114 = tpu.memref_slice %arg3[%dma_wait3A_112, %dma_wait3A_113] : memref<100000x128xf32, #tpu.memory_space<hbm>> -> memref<100000x128xf32, #tpu.memory_space<hbm>>
    tpu.wait_indirect_dma semaphore(%arg9 : memref<!tpu.dma_semaphore, #tpu.memory_space<semaphore_mem>>) src(%dma_wait3A_114 : memref<100000x128xf32, #tpu.memory_space<hbm>>) dst(%dma_wait3A_109 : memref<128x128xf32, #tpu.memory_space<vmem>>)
    %add3A_115 = arith.constant 25216 : i32
    %add3A_116 = arith.addi %mul3A_2, %add3A_115 : i32
    %dma_start3A_117 = arith.constant 2 : i32
    %dma_start3A_118 = arith.constant 0 : i32
    %dma_start3A_119 = arith.constant 0 : i32
    %dma_start3A_120 = tpu.memref_slice %arg6[%dma_start3A_117, %dma_start3A_118, %dma_start3A_119] : memref<5x128x128xf32, #tpu.memory_space<vmem>> -> memref<1x128x128xf32, #tpu.memory_space<vmem>>
    %dma_start3A_121 = tpu.memref_squeeze %dma_start3A_120 : memref<1x128x128xf32, #tpu.memory_space<vmem>> -> memref<128x128xf32, #tpu.memory_space<vmem>>
    %dma_start3A_122 = arith.constant 0 : i32
    %dma_start3A_123 = tpu.memref_slice %arg4[%add3A_116, %dma_start3A_122] : memref<819200x128xf32, #tpu.memory_space<hbm>> -> memref<128x128xf32, #tpu.memory_space<hbm>>
    %dma_start3A_124 = arith.constant 0 : i32
    %dma_start3A_125 = tpu.memref_slice %arg4[%add3A_116, %dma_start3A_124] : memref<819200x128xf32, #tpu.memory_space<hbm>> -> memref<128x128xf32, #tpu.memory_space<hbm>>
    %dma_start3A_126 = arith.constant 0 : i32
    %dma_start3A_127 = arith.constant 0 : i32
    %dma_start3A_128 = tpu.memref_slice %arg6[%dma_start3A_117, %dma_start3A_126, %dma_start3A_127] : memref<5x128x128xf32, #tpu.memory_space<vmem>> -> memref<1x128x128xf32, #tpu.memory_space<vmem>>
    %dma_start3A_129 = tpu.memref_squeeze %dma_start3A_128 : memref<1x128x128xf32, #tpu.memory_space<vmem>> -> memref<128x128xf32, #tpu.memory_space<vmem>>
    tpu.enqueue_dma source(%dma_start3A_129 : memref<128x128xf32, #tpu.memory_space<vmem>>) target(%dma_start3A_125 : memref<128x128xf32, #tpu.memory_space<hbm>>) target_semaphore(%arg14 : memref<!tpu.dma_semaphore, #tpu.memory_space<semaphore_mem>>)
    %dma_wait3A_130 = arith.constant 3 : i32
    %dma_wait3A_131 = arith.constant 0 : i32
    %dma_wait3A_132 = arith.constant 0 : i32
    %dma_wait3A_133 = tpu.memref_slice %arg6[%dma_wait3A_130, %dma_wait3A_131, %dma_wait3A_132] : memref<5x128x128xf32, #tpu.memory_space<vmem>> -> memref<1x128x128xf32, #tpu.memory_space<vmem>>
    %dma_wait3A_134 = tpu.memref_squeeze %dma_wait3A_133 : memref<1x128x128xf32, #tpu.memory_space<vmem>> -> memref<128x128xf32, #tpu.memory_space<vmem>>
    %dma_wait3A_135 = arith.constant 25344 : i32
    %dma_wait3A_136 = tpu.memref_slice %arg5[%dma_wait3A_135] : memref<25600xi32, #tpu.memory_space<vmem>> -> memref<128xi32, #tpu.memory_space<vmem>>
    %dma_wait3A_137 = arith.constant 0 : i32
    %dma_wait3A_138 = arith.constant 0 : i32
    %dma_wait3A_139 = tpu.memref_slice %arg3[%dma_wait3A_137, %dma_wait3A_138] : memref<100000x128xf32, #tpu.memory_space<hbm>> -> memref<100000x128xf32, #tpu.memory_space<hbm>>
    tpu.wait_indirect_dma semaphore(%arg10 : memref<!tpu.dma_semaphore, #tpu.memory_space<semaphore_mem>>) src(%dma_wait3A_139 : memref<100000x128xf32, #tpu.memory_space<hbm>>) dst(%dma_wait3A_134 : memref<128x128xf32, #tpu.memory_space<vmem>>)
    %add3A_140 = arith.constant 25344 : i32
    %add3A_141 = arith.addi %mul3A_2, %add3A_140 : i32
    %dma_start3A_142 = arith.constant 3 : i32
    %dma_start3A_143 = arith.constant 0 : i32
    %dma_start3A_144 = arith.constant 0 : i32
    %dma_start3A_145 = tpu.memref_slice %arg6[%dma_start3A_142, %dma_start3A_143, %dma_start3A_144] : memref<5x128x128xf32, #tpu.memory_space<vmem>> -> memref<1x128x128xf32, #tpu.memory_space<vmem>>
    %dma_start3A_146 = tpu.memref_squeeze %dma_start3A_145 : memref<1x128x128xf32, #tpu.memory_space<vmem>> -> memref<128x128xf32, #tpu.memory_space<vmem>>
    %dma_start3A_147 = arith.constant 0 : i32
    %dma_start3A_148 = tpu.memref_slice %arg4[%add3A_141, %dma_start3A_147] : memref<819200x128xf32, #tpu.memory_space<hbm>> -> memref<128x128xf32, #tpu.memory_space<hbm>>
    %dma_start3A_149 = arith.constant 0 : i32
    %dma_start3A_150 = tpu.memref_slice %arg4[%add3A_141, %dma_start3A_149] : memref<819200x128xf32, #tpu.memory_space<hbm>> -> memref<128x128xf32, #tpu.memory_space<hbm>>
    %dma_start3A_151 = arith.constant 0 : i32
    %dma_start3A_152 = arith.constant 0 : i32
    %dma_start3A_153 = tpu.memref_slice %arg6[%dma_start3A_142, %dma_start3A_151, %dma_start3A_152] : memref<5x128x128xf32, #tpu.memory_space<vmem>> -> memref<1x128x128xf32, #tpu.memory_space<vmem>>
    %dma_start3A_154 = tpu.memref_squeeze %dma_start3A_153 : memref<1x128x128xf32, #tpu.memory_space<vmem>> -> memref<128x128xf32, #tpu.memory_space<vmem>>
    tpu.enqueue_dma source(%dma_start3A_154 : memref<128x128xf32, #tpu.memory_space<vmem>>) target(%dma_start3A_150 : memref<128x128xf32, #tpu.memory_space<hbm>>) target_semaphore(%arg15 : memref<!tpu.dma_semaphore, #tpu.memory_space<semaphore_mem>>)
    %dma_wait3A_155 = arith.constant 4 : i32
    %dma_wait3A_156 = arith.constant 0 : i32
    %dma_wait3A_157 = arith.constant 0 : i32
    %dma_wait3A_158 = tpu.memref_slice %arg6[%dma_wait3A_155, %dma_wait3A_156, %dma_wait3A_157] : memref<5x128x128xf32, #tpu.memory_space<vmem>> -> memref<1x128x128xf32, #tpu.memory_space<vmem>>
    %dma_wait3A_159 = tpu.memref_squeeze %dma_wait3A_158 : memref<1x128x128xf32, #tpu.memory_space<vmem>> -> memref<128x128xf32, #tpu.memory_space<vmem>>
    %dma_wait3A_160 = arith.constant 25472 : i32
    %dma_wait3A_161 = tpu.memref_slice %arg5[%dma_wait3A_160] : memref<25600xi32, #tpu.memory_space<vmem>> -> memref<128xi32, #tpu.memory_space<vmem>>
    %dma_wait3A_162 = arith.constant 0 : i32
    %dma_wait3A_163 = arith.constant 0 : i32
    %dma_wait3A_164 = tpu.memref_slice %arg3[%dma_wait3A_162, %dma_wait3A_163] : memref<100000x128xf32, #tpu.memory_space<hbm>> -> memref<100000x128xf32, #tpu.memory_space<hbm>>
    tpu.wait_indirect_dma semaphore(%arg11 : memref<!tpu.dma_semaphore, #tpu.memory_space<semaphore_mem>>) src(%dma_wait3A_164 : memref<100000x128xf32, #tpu.memory_space<hbm>>) dst(%dma_wait3A_159 : memref<128x128xf32, #tpu.memory_space<vmem>>)
    %add3A_165 = arith.constant 25472 : i32
    %add3A_166 = arith.addi %mul3A_2, %add3A_165 : i32
    %dma_start3A_167 = arith.constant 4 : i32
    %dma_start3A_168 = arith.constant 0 : i32
    %dma_start3A_169 = arith.constant 0 : i32
    %dma_start3A_170 = tpu.memref_slice %arg6[%dma_start3A_167, %dma_start3A_168, %dma_start3A_169] : memref<5x128x128xf32, #tpu.memory_space<vmem>> -> memref<1x128x128xf32, #tpu.memory_space<vmem>>
    %dma_start3A_171 = tpu.memref_squeeze %dma_start3A_170 : memref<1x128x128xf32, #tpu.memory_space<vmem>> -> memref<128x128xf32, #tpu.memory_space<vmem>>
    %dma_start3A_172 = arith.constant 0 : i32
    %dma_start3A_173 = tpu.memref_slice %arg4[%add3A_166, %dma_start3A_172] : memref<819200x128xf32, #tpu.memory_space<hbm>> -> memref<128x128xf32, #tpu.memory_space<hbm>>
    %dma_start3A_174 = arith.constant 0 : i32
    %dma_start3A_175 = tpu.memref_slice %arg4[%add3A_166, %dma_start3A_174] : memref<819200x128xf32, #tpu.memory_space<hbm>> -> memref<128x128xf32, #tpu.memory_space<hbm>>
    %dma_start3A_176 = arith.constant 0 : i32
    %dma_start3A_177 = arith.constant 0 : i32
    %dma_start3A_178 = tpu.memref_slice %arg6[%dma_start3A_167, %dma_start3A_176, %dma_start3A_177] : memref<5x128x128xf32, #tpu.memory_space<vmem>> -> memref<1x128x128xf32, #tpu.memory_space<vmem>>
    %dma_start3A_179 = tpu.memref_squeeze %dma_start3A_178 : memref<1x128x128xf32, #tpu.memory_space<vmem>> -> memref<128x128xf32, #tpu.memory_space<vmem>>
    tpu.enqueue_dma source(%dma_start3A_179 : memref<128x128xf32, #tpu.memory_space<vmem>>) target(%dma_start3A_175 : memref<128x128xf32, #tpu.memory_space<hbm>>) target_semaphore(%arg16 : memref<!tpu.dma_semaphore, #tpu.memory_space<semaphore_mem>>)
    %add3A_180 = arith.constant 24960 : i32
    %add3A_181 = arith.addi %mul3A_2, %add3A_180 : i32
    %dma_wait3A_182 = arith.constant 0 : i32
    %dma_wait3A_183 = arith.constant 0 : i32
    %dma_wait3A_184 = arith.constant 0 : i32
    %dma_wait3A_185 = tpu.memref_slice %arg6[%dma_wait3A_182, %dma_wait3A_183, %dma_wait3A_184] : memref<5x128x128xf32, #tpu.memory_space<vmem>> -> memref<1x128x128xf32, #tpu.memory_space<vmem>>
    %dma_wait3A_186 = tpu.memref_squeeze %dma_wait3A_185 : memref<1x128x128xf32, #tpu.memory_space<vmem>> -> memref<128x128xf32, #tpu.memory_space<vmem>>
    %dma_wait3A_187 = arith.constant 0 : i32
    %dma_wait3A_188 = tpu.memref_slice %arg4[%add3A_181, %dma_wait3A_187] : memref<819200x128xf32, #tpu.memory_space<hbm>> -> memref<128x128xf32, #tpu.memory_space<hbm>>
    %dma_wait3A_189 = arith.constant 0 : i32
    %dma_wait3A_190 = tpu.memref_slice %arg4[%add3A_181, %dma_wait3A_189] : memref<819200x128xf32, #tpu.memory_space<hbm>> -> memref<128x128xf32, #tpu.memory_space<hbm>>
    %dma_wait3A_191 = arith.constant 0 : i32
    %dma_wait3A_192 = arith.constant 0 : i32
    %dma_wait3A_193 = tpu.memref_slice %arg6[%dma_wait3A_182, %dma_wait3A_191, %dma_wait3A_192] : memref<5x128x128xf32, #tpu.memory_space<vmem>> -> memref<1x128x128xf32, #tpu.memory_space<vmem>>
    %dma_wait3A_194 = tpu.memref_squeeze %dma_wait3A_193 : memref<1x128x128xf32, #tpu.memory_space<vmem>> -> memref<128x128xf32, #tpu.memory_space<vmem>>
    tpu.wait_dma2 semaphore(%arg12 : memref<!tpu.dma_semaphore, #tpu.memory_space<semaphore_mem>>) src(%dma_wait3A_194 : memref<128x128xf32, #tpu.memory_space<vmem>>) dst(%dma_wait3A_190 : memref<128x128xf32, #tpu.memory_space<hbm>>)
    %add3A_195 = arith.constant 25088 : i32
    %add3A_196 = arith.addi %mul3A_2, %add3A_195 : i32
    %dma_wait3A_197 = arith.constant 1 : i32
    %dma_wait3A_198 = arith.constant 0 : i32
    %dma_wait3A_199 = arith.constant 0 : i32
    %dma_wait3A_200 = tpu.memref_slice %arg6[%dma_wait3A_197, %dma_wait3A_198, %dma_wait3A_199] : memref<5x128x128xf32, #tpu.memory_space<vmem>> -> memref<1x128x128xf32, #tpu.memory_space<vmem>>
    %dma_wait3A_201 = tpu.memref_squeeze %dma_wait3A_200 : memref<1x128x128xf32, #tpu.memory_space<vmem>> -> memref<128x128xf32, #tpu.memory_space<vmem>>
    %dma_wait3A_202 = arith.constant 0 : i32
    %dma_wait3A_203 = tpu.memref_slice %arg4[%add3A_196, %dma_wait3A_202] : memref<819200x128xf32, #tpu.memory_space<hbm>> -> memref<128x128xf32, #tpu.memory_space<hbm>>
    %dma_wait3A_204 = arith.constant 0 : i32
    %dma_wait3A_205 = tpu.memref_slice %arg4[%add3A_196, %dma_wait3A_204] : memref<819200x128xf32, #tpu.memory_space<hbm>> -> memref<128x128xf32, #tpu.memory_space<hbm>>
    %dma_wait3A_206 = arith.constant 0 : i32
    %dma_wait3A_207 = arith.constant 0 : i32
    %dma_wait3A_208 = tpu.memref_slice %arg6[%dma_wait3A_197, %dma_wait3A_206, %dma_wait3A_207] : memref<5x128x128xf32, #tpu.memory_space<vmem>> -> memref<1x128x128xf32, #tpu.memory_space<vmem>>
    %dma_wait3A_209 = tpu.memref_squeeze %dma_wait3A_208 : memref<1x128x128xf32, #tpu.memory_space<vmem>> -> memref<128x128xf32, #tpu.memory_space<vmem>>
    tpu.wait_dma2 semaphore(%arg13 : memref<!tpu.dma_semaphore, #tpu.memory_space<semaphore_mem>>) src(%dma_wait3A_209 : memref<128x128xf32, #tpu.memory_space<vmem>>) dst(%dma_wait3A_205 : memref<128x128xf32, #tpu.memory_space<hbm>>)
    %add3A_210 = arith.constant 25216 : i32
    %add3A_211 = arith.addi %mul3A_2, %add3A_210 : i32
    %dma_wait3A_212 = arith.constant 2 : i32
    %dma_wait3A_213 = arith.constant 0 : i32
    %dma_wait3A_214 = arith.constant 0 : i32
    %dma_wait3A_215 = tpu.memref_slice %arg6[%dma_wait3A_212, %dma_wait3A_213, %dma_wait3A_214] : memref<5x128x128xf32, #tpu.memory_space<vmem>> -> memref<1x128x128xf32, #tpu.memory_space<vmem>>
    %dma_wait3A_216 = tpu.memref_squeeze %dma_wait3A_215 : memref<1x128x128xf32, #tpu.memory_space<vmem>> -> memref<128x128xf32, #tpu.memory_space<vmem>>
    %dma_wait3A_217 = arith.constant 0 : i32
    %dma_wait3A_218 = tpu.memref_slice %arg4[%add3A_211, %dma_wait3A_217] : memref<819200x128xf32, #tpu.memory_space<hbm>> -> memref<128x128xf32, #tpu.memory_space<hbm>>
    %dma_wait3A_219 = arith.constant 0 : i32
    %dma_wait3A_220 = tpu.memref_slice %arg4[%add3A_211, %dma_wait3A_219] : memref<819200x128xf32, #tpu.memory_space<hbm>> -> memref<128x128xf32, #tpu.memory_space<hbm>>
    %dma_wait3A_221 = arith.constant 0 : i32
    %dma_wait3A_222 = arith.constant 0 : i32
    %dma_wait3A_223 = tpu.memref_slice %arg6[%dma_wait3A_212, %dma_wait3A_221, %dma_wait3A_222] : memref<5x128x128xf32, #tpu.memory_space<vmem>> -> memref<1x128x128xf32, #tpu.memory_space<vmem>>
    %dma_wait3A_224 = tpu.memref_squeeze %dma_wait3A_223 : memref<1x128x128xf32, #tpu.memory_space<vmem>> -> memref<128x128xf32, #tpu.memory_space<vmem>>
    tpu.wait_dma2 semaphore(%arg14 : memref<!tpu.dma_semaphore, #tpu.memory_space<semaphore_mem>>) src(%dma_wait3A_224 : memref<128x128xf32, #tpu.memory_space<vmem>>) dst(%dma_wait3A_220 : memref<128x128xf32, #tpu.memory_space<hbm>>)
    %add3A_225 = arith.constant 25344 : i32
    %add3A_226 = arith.addi %mul3A_2, %add3A_225 : i32
    %dma_wait3A_227 = arith.constant 3 : i32
    %dma_wait3A_228 = arith.constant 0 : i32
    %dma_wait3A_229 = arith.constant 0 : i32
    %dma_wait3A_230 = tpu.memref_slice %arg6[%dma_wait3A_227, %dma_wait3A_228, %dma_wait3A_229] : memref<5x128x128xf32, #tpu.memory_space<vmem>> -> memref<1x128x128xf32, #tpu.memory_space<vmem>>
    %dma_wait3A_231 = tpu.memref_squeeze %dma_wait3A_230 : memref<1x128x128xf32, #tpu.memory_space<vmem>> -> memref<128x128xf32, #tpu.memory_space<vmem>>
    %dma_wait3A_232 = arith.constant 0 : i32
    %dma_wait3A_233 = tpu.memref_slice %arg4[%add3A_226, %dma_wait3A_232] : memref<819200x128xf32, #tpu.memory_space<hbm>> -> memref<128x128xf32, #tpu.memory_space<hbm>>
    %dma_wait3A_234 = arith.constant 0 : i32
    %dma_wait3A_235 = tpu.memref_slice %arg4[%add3A_226, %dma_wait3A_234] : memref<819200x128xf32, #tpu.memory_space<hbm>> -> memref<128x128xf32, #tpu.memory_space<hbm>>
    %dma_wait3A_236 = arith.constant 0 : i32
    %dma_wait3A_237 = arith.constant 0 : i32
    %dma_wait3A_238 = tpu.memref_slice %arg6[%dma_wait3A_227, %dma_wait3A_236, %dma_wait3A_237] : memref<5x128x128xf32, #tpu.memory_space<vmem>> -> memref<1x128x128xf32, #tpu.memory_space<vmem>>
    %dma_wait3A_239 = tpu.memref_squeeze %dma_wait3A_238 : memref<1x128x128xf32, #tpu.memory_space<vmem>> -> memref<128x128xf32, #tpu.memory_space<vmem>>
    tpu.wait_dma2 semaphore(%arg15 : memref<!tpu.dma_semaphore, #tpu.memory_space<semaphore_mem>>) src(%dma_wait3A_239 : memref<128x128xf32, #tpu.memory_space<vmem>>) dst(%dma_wait3A_235 : memref<128x128xf32, #tpu.memory_space<hbm>>)
    %add3A_240 = arith.constant 25472 : i32
    %add3A_241 = arith.addi %mul3A_2, %add3A_240 : i32
    %dma_wait3A_242 = arith.constant 4 : i32
    %dma_wait3A_243 = arith.constant 0 : i32
    %dma_wait3A_244 = arith.constant 0 : i32
    %dma_wait3A_245 = tpu.memref_slice %arg6[%dma_wait3A_242, %dma_wait3A_243, %dma_wait3A_244] : memref<5x128x128xf32, #tpu.memory_space<vmem>> -> memref<1x128x128xf32, #tpu.memory_space<vmem>>
    %dma_wait3A_246 = tpu.memref_squeeze %dma_wait3A_245 : memref<1x128x128xf32, #tpu.memory_space<vmem>> -> memref<128x128xf32, #tpu.memory_space<vmem>>
    %dma_wait3A_247 = arith.constant 0 : i32
    %dma_wait3A_248 = tpu.memref_slice %arg4[%add3A_241, %dma_wait3A_247] : memref<819200x128xf32, #tpu.memory_space<hbm>> -> memref<128x128xf32, #tpu.memory_space<hbm>>
    %dma_wait3A_249 = arith.constant 0 : i32
    %dma_wait3A_250 = tpu.memref_slice %arg4[%add3A_241, %dma_wait3A_249] : memref<819200x128xf32, #tpu.memory_space<hbm>> -> memref<128x128xf32, #tpu.memory_space<hbm>>
    %dma_wait3A_251 = arith.constant 0 : i32
    %dma_wait3A_252 = arith.constant 0 : i32
    %dma_wait3A_253 = tpu.memref_slice %arg6[%dma_wait3A_242, %dma_wait3A_251, %dma_wait3A_252] : memref<5x128x128xf32, #tpu.memory_space<vmem>> -> memref<1x128x128xf32, #tpu.memory_space<vmem>>
    %dma_wait3A_254 = tpu.memref_squeeze %dma_wait3A_253 : memref<1x128x128xf32, #tpu.memory_space<vmem>> -> memref<128x128xf32, #tpu.memory_space<vmem>>
    tpu.wait_dma2 semaphore(%arg16 : memref<!tpu.dma_semaphore, #tpu.memory_space<semaphore_mem>>) src(%dma_wait3A_254 : memref<128x128xf32, #tpu.memory_space<vmem>>) dst(%dma_wait3A_250 : memref<128x128xf32, #tpu.memory_space<hbm>>)
    return
  }
}

</mosaic_0001>

<sc_bundles>
// kernel: kernel.3.cloned.1.call-start
scs
__scs_entry_jumppad:
0x0: {  	(pc) =	sbr.rel $0x88, $3  }
0x1: {  	(tag) =	ssettag $0x0;
	lr =	simm.s32 $0x1  }
0x2: {  	[smem:$0x3F9F] =	sst lr;
	_ =	strace $0xD0000000  }
0x3: {  	_ = 	snop  }
0x4: {  	_ = 	snop  }
0x5: {  	_ = 	snop  }
0x6: {  	_ = 	snop  }
0x7: {  	_ = 	snop  }
__scs_overlays_trampoline_lowered:
0x8: {  	[smem:$0x3FAE] =	sst s0  }
0x9: {  	[smem:$0x3FAF] =	sst s1  }
0xa: {  	[smem:$0x3FB0] =	sst s2  }
0xb: {  	[smem:$0x3FB1] =	sst s3  }
0xc: {  	[smem:$0x3FB2] =	sst s4  }
0xd: {  	[smem:$0x3FB3] =	sst s5  }
0xe: {  	[smem:$0x3FB4] =	sst s6  }
0xf: {  	[smem:$0x3FB5] =	sst s7  }
0x10: {  	[smem:$0x3FB6] =	sst s8  }
0x11: {  	[smem:$0x3FB7] =	sst s9;
	s0 =	simm.s32 @!p0 $0x0  }
0x12: {  	s1 =	sld [smem:$0x3F9D];
	s0 =	simm.s32 @p0 $0x1  }
0x13: {  	[smem:$0x3FB8] =	sst s0;
	s0 =	simm.s32 @!p1 $0x0  }
0x14: {  	s2 =	sld [smem:$0x3F9C];
	s0 =	simm.s32 @p1 $0x1  }
0x15: {  	[smem:$0x3FB9] =	sst s0;
	s0 =	simm.s32 @!p2 $0x0  }
0x16: {  	s3 =	sld [smem:$0x3FDB];
	s0 =	simm.s32 @p2 $0x1  }
0x17: {  	s4 =	simm.s32 $0x1BF5;
	[smem:$0x3FBB] =	sst s0  }
0x18: {  	s0 =	sld [smem:$0x3F9E];
	_ =	swait.ge [sflag:s4], $0x0  }
0x19: {  	s7 =	sld [smem:$0x3F9F]  }
0x1a: {  	s8 =	sadd.s32 $0xFFFFE003, lr  }
0x1b: {  	s9 =	sadd.s32 $0xFFFFFEF7, lr;
	s5 =	simm.s32 $0xFFFFFFFF;
	p2 =	slt.u32 s8, $0xFFFFF086  }
0x1c: {  	p1 =	slt.u32 s9, $0xF7A;
	s5 =	simm.s32 @!p2 $0x0  }
0x1d: {  	s5 =	simm.s32 @p1 $0x1;
	p0 =	seq.s32 s7, s2  }
0x1e: {  	s7 =	smul.u32 @!p0 $0xF7A, s2;
	p2 =	seq.s32 @!p0 s5, $0x0  }
0x1f: {  	s9 =	smul.u32 $0xF7A, s1;
	s8 =	simm.s32 @!p0 $0x1BF5;
	p2 =	por !p2, p0  }
0x20: {  	[sflag:s8] =	ssyncset.s32 @!p0 $0xFFFFF086;
	s6 =	sadd.s32 @!p0 s3, s7;
	s7 =	simm.s32 @!p0 $0x108  }
0x21: {  	s3 =	sadd.s32 s3, s9;
	s6 =	sadd.s32 @!p0 $0x88, s6;
	s7 =	simm.s32 @p2 $0x1082  }
0x22: {  	[simem:s7], [sflag:s8] =	dma.local @!p0 [hbm:s6], $0xF7A  }
0x23: {  	s9 =	sor.u32 $0xD0000000, s2;
	s6 =	simm.s32 $0x108;
	_ =	swait.ge @!p0 [sflag:s8], $0x0  }
0x24: {  	s3 =	sadd.s32 $0x88, s3;
	s6 =	simm.s32 @!p1 $0x1082;
	[sflag:s4] =	ssyncset.s32 $0xFFFFF086  }
0x25: {  	[simem:s6], [sflag:s4] =	dma.local [hbm:s3], $0xF7A  }
0x26: {  	[smem:$0x3F9F] =	sst s1;
	(tag) =	ssettag s2;
	_ =	strace s9  }
0x27: {  	s1 =	sld [smem:$0x3FAF]  }
0x28: {  	s2 =	sld [smem:$0x3FB0]  }
0x29: {  	s4 =	sld [smem:$0x3FB2]  }
0x2a: {  	p0 =	seq.s32 s5, $0x0;
	s5 =	sld [smem:$0x3FB3]  }
0x2b: {  	s6 =	sld [smem:$0x3FB4]  }
0x2c: {  	s7 =	sld [smem:$0x3FB5]  }
0x2d: {  	s3 =	simm.s32 $0x108;
	s8 =	sld [smem:$0x3FB6]  }
0x2e: {  	s3 =	simm.s32 @!p0 $0x1082;
	s9 =	sld [smem:$0x3FB7]  }
0x2f: {  	lr =	sadd.s32 s0, s3;
	s0 =	sld [smem:$0x3FAE]  }
0x30: {  	s3 =	sld [smem:$0x3FB1]  }
0x31: {  	[smem:$0x3FBA] =	sst s10  }
0x32: {  	s10 =	sld [smem:$0x3FB8];
	_ =	sdelay $0x3  }
0x33: {  	p0 =	seq.s32 s10, $0x1;
	s10 =	sld [smem:$0x3FBA];
	_ =	sdelay $0x3  }
0x34: {  	[smem:$0x3FBA] =	sst s10  }
0x35: {  	s10 =	sld [smem:$0x3FB9];
	_ =	sdelay $0x3  }
0x36: {  	p1 =	seq.s32 s10, $0x1;
	s10 =	sld [smem:$0x3FBA];
	_ =	sdelay $0x3  }
0x37: {  	[smem:$0x3FBA] =	sst s10  }
0x38: {  	s10 =	sld [smem:$0x3FBB]  }
0x39: {  	_ = 	snop;
	(pc) =	sbr.ind lr, $3  }
0x3a: {  	_ = 	snop  }
0x3b: {  	_ = 	snop  }
0x3c: {  	p2 =	seq.s32 s10, $0x1;
	s10 =	sld [smem:$0x3FBA]  }
0x3d: {  	_ =	shalt  }
0x3e: {  	_ =	shalt  }
0x3f: {  	_ =	shalt  }
0x40: {  	_ =	shalt  }
0x41: {  	_ =	shalt  }
0x42: {  	_ =	shalt  }
0x43: {  	_ =	shalt  }
0x44: {  	_ =	shalt  }
0x45: {  	_ =	shalt  }
0x46: {  	_ =	shalt  }
0x47: {  	_ =	shalt  }
0x48: {  	_ =	shalt  }
0x49: {  	_ =	shalt  }
0x4a: {  	_ =	shalt  }
0x4b: {  	_ =	shalt  }
0x4c: {  	_ =	shalt  }
0x4d: {  	_ =	shalt  }
0x4e: {  	_ =	shalt  }
0x4f: {  	_ =	shalt  }
0x50: {  	_ =	shalt  }
0x51: {  	_ =	shalt  }
0x52: {  	_ =	shalt  }
0x53: {  	_ =	shalt  }
0x54: {  	_ =	shalt  }
0x55: {  	_ =	shalt  }
0x56: {  	_ =	shalt  }
0x57: {  	_ =	shalt  }
0x58: {  	_ =	shalt  }
0x59: {  	_ =	shalt  }
0x5a: {  	_ =	shalt  }
0x5b: {  	_ =	shalt  }
0x5c: {  	_ =	shalt  }
0x5d: {  	_ =	shalt  }
0x5e: {  	_ =	shalt  }
0x5f: {  	_ =	shalt  }
0x60: {  	_ =	shalt  }
0x61: {  	_ =	shalt  }
0x62: {  	_ =	shalt  }
0x63: {  	_ =	shalt  }
0x64: {  	_ =	shalt  }
0x65: {  	_ =	shalt  }
0x66: {  	_ =	shalt  }
0x67: {  	_ =	shalt  }
0x68: {  	_ =	shalt  }
0x69: {  	_ =	shalt  }
0x6a: {  	_ =	shalt  }
0x6b: {  	_ =	shalt  }
0x6c: {  	_ =	shalt  }
0x6d: {  	_ =	shalt  }
0x6e: {  	_ =	shalt  }
0x6f: {  	_ =	shalt  }
0x70: {  	_ =	shalt  }
0x71: {  	_ =	shalt  }
0x72: {  	_ =	shalt  }
0x73: {  	_ =	shalt  }
0x74: {  	_ =	shalt  }
0x75: {  	_ =	shalt  }
0x76: {  	_ =	shalt  }
0x77: {  	_ =	shalt  }
0x78: {  	_ =	shalt  }
0x79: {  	_ =	shalt  }
0x7a: {  	_ =	shalt  }
0x7b: {  	_ =	shalt  }
0x7c: {  	_ =	shalt  }
0x7d: {  	_ =	shalt  }
0x7e: {  	_ =	shalt  }
0x7f: {  	_ =	shalt  }
0x80: {  	_ =	shalt  }
0x81: {  	_ =	shalt  }
0x82: {  	_ =	shalt  }
0x83: {  	_ =	shalt  }
0x84: {  	_ =	shalt  }
0x85: {  	_ =	shalt  }
0x86: {  	_ =	shalt  }
0x87: {  	_ =	shalt  }
.Lfunc_end0:
.L_simem_size_0:
called_computation_lowered:
.L_overlay_start_0:
0x88: {  	s2 =	sld [smem:$0x3FD9]  }
0x89: {  	s3 =	sld [smem:$0x3FFE];
	_ =	sdelay $0x1  }
0x8a: {  	s1 =	srdreg.scid  }
0x8b: {  	s0 =	sand.u32 $0x1, s1  }
0x8c: {  	s17 =	sshll.u32 s0, $0xA;
	s2 =	sadd.s32 s3, s2  }
0x8d: {  	s2 =	sadd.s32 s2, s17  }
0x8e: {  	[smem:$0x3FC6] =	sst s2  }
0x8f: {  	_ = 	snop  }
0x90: {  	s2 =	sld [smem:$0x3FC8]  }
0x91: {  	s18 =	sld [smem:$0x3FD0];
	(tm) =	ssettm $0x1  }
0x92: {  	s4 =	sld [smem:$0x3FFB];
	_ =	sdelay $0x3  }
0x93: {  	_ =	strace s4  }
0x94: {  	s4 =	sld [smem:$0x3FFC];
	_ =	sdelay $0x3  }
0x95: {  	_ =	strace s4  }
0x96: {  	s4 =	sld [smem:$0x3FFD];
	_ =	sdelay $0x3  }
0x97: {  	_ =	strace s4  }
0x98: {  	_ =	strace $0x8FFFFFFF  }
0x99: {  	s19 =	sld [smem:$0x3FDB];
	_ =	sdelay $0x1  }
0x9a: {  	s5 =	simm.s32 $_scs_section_size  }
0x9b: {  	s6 =	simm.s32 $_size__tile_overlayer_lowered;
	s7 =	simm.s32 $_tile_overlayer_lowered  }
0x9c: {  	s22 =	simm.s32 $0x1BFF;
	s21 =	sshll.u32 s7, $0x1;
	s4 =	sadd.s32 s5, s19  }
0x9d: {  	s8 =	simm.s32 $0x0;
	s20 =	sshll.u32 s6, $0x1;
	s6 =	sadd.s32 s21, s4  }
0x9e: {  	[timem:s8], [sflag:s22] =	dma.local [hbm:s6], s20  }
0x9f: {  	_ =	swait.ge [sflag:s22], s20  }
0xa0: {  	s5 =	ssub.s32 $0x0, s20;
	[sflag:s22] =	ssyncset.done $0x0  }
0xa1: {  	[sflag:s22] =	ssyncadd.s32 s5;
	_ =	sdelay $0x1  }
0xa2: {  	s23 =	simm.s32 $0x1B8B  }
0xa3: {  	_ =	swait.ge [sflag:s23], $0x1  }
0xa4: {  	[sflag:s23] =	ssyncset.done $0x0  }
0xa5: {  	s25 =	simm.s32 $0x1B8E;
	s24 =	sld [smem:$0x3FFE];
	[sflag:s23] =	ssyncadd.s32 $0xFFFFFFFF  }
0xa6: {  	s26 =	simm.s32 $execute0_lowered;
	[smem:$0x3FD2] =	sst s25  }
0xa7: {  	s6 =	sshll.u32 s26, $0x1;
	_ =	strace $0x80000046;
	[dreg:$0x1] =	wrdreg $0xFFFFFFFF  }
0xa8: {  	s28 =	simm.s32 $_size_execute0_lowered;
	s4 =	sadd.s32 s4, s6;
	[dreg:$0x0] =	wrdreg $0x0  }
0xa9: {  	s6 =	sshll.u32 s28, $0x1;
	[dreg:$0x2] =	wrdreg s4  }
0xaa: {  	[dreg:$0x3] =	wrdreg s6  }
0xab: {  	[dreg:$0x4] =	wrdreg $0xC0  }
0xac: {  	_ =	task [dreg:s8], $0x5FFFF  }
0xad: {  	[dreg:$0x1] =	wrdreg $0xFFFFFFFF  }
0xae: {  	[dreg:$0x0] =	wrdreg $0x60  }
0xaf: {  	[dreg:$0x2] =	wrdreg s24  }
0xb0: {  	[dreg:$0x3] =	wrdreg s2  }
0xb1: {  	[dreg:$0x4] =	wrdreg s18  }
0xb2: {  	[dreg:$0x5] =	wrdreg $0x9  }
0xb3: {  	_ =	task.clear_ibuf [dreg:s8], $0x6FFFF;
	_ =	strace $0x90000046  }
0xb4: {  	s29 =	simm.s32 $0x9;
	_ =	strace $0x80000048  }
0xb5: {  	_ =	swait.ge [sflag:s29], $0x1  }
0xb6: {  	[sflag:s29] =	ssyncadd.s32 $0xFFFFFFFF  }
0xb7: {  	_ =	strace $0x90000048  }
0xb8: {  	_ =	sfence  }
0xb9: {  	s30 =	sld [smem:$0x0];
	_ =	sdelay $0x2  }
0xba: {  	s31 =	sshll.u32 s1, $0xD;
	s1 =	sshrl.u32 s1, $0x2  }
0xbb: {  	s3 =	sand.u32 $0x4000, s31;
	s1 =	sadd.s32 s1, s30  }
0xbc: {  	s0 =	sor.u32 s3, s0;
	s1 =	sshll.u32 s1, $0x11  }
0xbd: {  	s0 =	sor.u32 s1, s0  }
0xbe: {  	s0 =	sadd.s32 $0x8F2B, s0  }
0xbf: {  	[sflag:s0] =	ssyncadd.remote.s32 $0x1  }
0xc0: {  	_ =	sfence.sel $0xFFFF  }
0xc1: {  	[dreg:$0x0] =	wrdreg $0xFFFFFFFF;
	(pc) =	sbr.abs _section_cstart, $3  }
0xc2: {  	[dreg:$0x1] =	wrdreg $0xFFFFFFFF  }
0xc3: {  	_ =	task.clear_ibuf [dreg:s8], $0x2FFFF;
	_ =	strace $0x9FFFFFFF  }
0xc4: {  	(tm) =	ssettm $0x7FFFFFFF  }
0xc5: {  	_ =	shalt  }
tec
execute0_lowered:
.L_overlay_start_1:
0x0: {  	(tag) =	ssettag $0x1  }
0x1: {  	s0 =	rddreg [dreg:$0x0]  }
0x2: {  	s2 =	rddreg [dreg:$0x1]  }
0x3: {  	s1 =	srdreg.scid;
	s11 =	stileid.u32  }
0x4: {  	s7 =	rddreg [dreg:$0x2];
	s3 =	simm.s32 $0x0;
	s12 =	simm.s32 $0xB  }
0x5: {  	s13 =	simm.s32 $0x80;
	s14 =	simm.s32 $0x6400;
	s15 =	simm.s32 $0xA400  }
0x6: {  	s17 =	simm.s32 $0xE400;
	s19 =	simm.s32 $0x12400;
	s21 =	simm.s32 $0x16400  }
0x7: {  	s28 =	simm.s32 $0x4;
	s29 =	simm.s32 $0x8;
	s30 =	simm.s32 $0x5  }
0x8: {  	s1 =	sand.u32 $0x1, s1;
	s4 =	sshll.u32 s11, $0x1;
	s24 =	smul.u32 $0xC8000, s11  }
0x9: {  	s4 =	sor.u32 s1, s4;
	s6 =	ssub.s32 $0x2, s1;
	s1 =	smul.u32 $0x64000, s1  }
0xa: {  	s31 =	simm.s32 $0x9;
	[smem:$0x7FF] =	sst s3;
	s5 =	smul.u32 $0x6400, s4  }
0xb: {  	_ =	strace $0x80000047;
	s8 =	smul.u32 $0x320000, s4;
	s22 =	sshrl.u32 s6, $0x1  }
0xc: {  	s9 =	smul.u32 $0x64000, s4;
	s26 =	sadd.s32 s24, s7;
	s24 =	simm.s32 $0x6  }
0xd: {  	s10 =	ssub.s32 s6, s22;
	s1 =	sadd.s32 s1, s26;
	s22 =	simm.s32 $0x1  }
0xe: {  	s26 =	simm.s32 $0x7;
	s5 =	sshrl.u32 s5, $0x3;
	s23 =	sshrl.u32 s8, $0x3  }
0xf: {  	s10 =	smax.u32 s10, $0x1;
	s11 =	sadd.s32 $0x1800, s1;
	s1 =	simm.s32 $0xA  }
0x10: {  	s0 =	sadd.s32 s5, s0;
	s25 =	sadd.s32 s7, s23;
	s5 =	sadd.s32 s7, s9  }
0x11: {  	s23 =	simm.s32 $0x2;
	s0 =	sadd.s32 $0x400, s0;
	s6 =	sadd.s32 $0x62000, s25  }
0x12: {  	s7 =	sadd.s32 $0x62800, s25;
	s8 =	sadd.s32 $0x63000, s25;
	s9 =	sadd.s32 $0x63800, s25  }
0x13: {  	s25 =	simm.s32 $0x3;
	[dreg:$0x4] =	wrdreg s0;
	s0 =	simm.s32 $0x0  }
.LBB2_1:
0x14: {  	s4 =	rddreg [dreg:$0x4]  }
0x15: {  	[tilespmem:s3], [sflag:$0xB] =	stream.linear.gather [hbm4b:s4+s3], $0x6400, $0x38;
	[tilespmem:$0x1A400] =	vst v63  }
0x16: {  	_ =	swait.ge [sflag:s12], $0x6400  }
0x17: {  	[sflag:s12] =	ssyncset.done $0x0  }
0x18: {  	[sflag:s12] =	ssyncadd.s32 $0xFFFF9C00  }
0x19: {  	[tilespmem:s14], [sflag:$0x1] =	stream.indirect.gather [hbm4b:s2+s13], $0x80, s3, s13, $0xb8;
	[tilespmem:$0x1A400] =	vst v63  }
0x1a: {  	_ = 	snop  }
0x1b: {  	[tilespmem:s15], [sflag:$0x2] =	stream.indirect.gather [hbm4b:s2+s13], $0x80, s13, s13, $0xb8;
	[tilespmem:$0x1A400] =	vst v63  }
0x1c: {  	s20 =	simm.s32 $0x100  }
0x1d: {  	[tilespmem:s17], [sflag:$0x3] =	stream.indirect.gather [hbm4b:s2+s13], $0x80, s20, s13, $0xb8;
	[tilespmem:$0x1A400] =	vst v63  }
0x1e: {  	s16 =	simm.s32 $0x180  }
0x1f: {  	[tilespmem:s19], [sflag:$0x4] =	stream.indirect.gather [hbm4b:s2+s13], $0x80, s16, s13, $0xb8;
	[tilespmem:$0x1A400] =	vst v63  }
0x20: {  	s18 =	simm.s32 $0x200  }
0x21: {  	[tilespmem:s21], [sflag:$0x5] =	stream.indirect.gather [hbm4b:s2+s13], $0x80, s18, s13, $0xb8;
	[tilespmem:$0x1A400] =	vst v63  }
0x22: {  	_ =	swait.ge [sflag:s22], $0x4000  }
0x23: {  	[sflag:s22] =	ssyncset.done $0x0  }
0x24: {  	[sflag:s22] =	ssyncadd.s32 $0xFFFFC000  }
0x25: {  	[hbm4b:s5+s3] =	stream.linear.scatter [tilespmem:s14], [sflag:$0x6], $0x4000, $0x38;
	[tilespmem:$0x1A400] =	vst v63  }
0x26: {  	_ =	swait.ge [sflag:s23], $0x4000  }
0x27: {  	[sflag:s23] =	ssyncset.done $0x0  }
0x28: {  	s16 =	sadd.s32 $0xFFFFF000, s11;
	[sflag:s23] =	ssyncadd.s32 $0xFFFFC000  }
0x29: {  	[hbm4b:s16+s3] =	stream.linear.scatter [tilespmem:s15], [sflag:$0x7], $0x4000, $0x38;
	[tilespmem:$0x1A400] =	vst v63  }
0x2a: {  	_ =	swait.ge [sflag:s24], $0x4000  }
0x2b: {  	[sflag:s24] =	ssyncset.done $0x0  }
0x2c: {  	s20 =	simm.s32 $0x280;
	[sflag:s24] =	ssyncadd.s32 $0xFFFFC000  }
0x2d: {  	[tilespmem:s14], [sflag:$0x1] =	stream.indirect.gather [hbm4b:s2+s13], $0x80, s20, s13, $0xb8;
	[tilespmem:$0x1A400] =	vst v63  }
0x2e: {  	_ =	swait.ge [sflag:s25], $0x4000  }
0x2f: {  	[sflag:s25] =	ssyncset.done $0x0  }
0x30: {  	s4 =	sadd.s32 $0xFFFFF800, s11;
	[sflag:s25] =	ssyncadd.s32 $0xFFFFC000  }
0x31: {  	[hbm4b:s4+s3] =	stream.linear.scatter [tilespmem:s17], [sflag:$0x8], $0x4000, $0x38;
	[tilespmem:$0x1A400] =	vst v63  }
0x32: {  	_ =	swait.ge [sflag:s26], $0x4000  }
0x33: {  	[sflag:s26] =	ssyncset.done $0x0  }
0x34: {  	s18 =	simm.s32 $0x300;
	[sflag:s26] =	ssyncadd.s32 $0xFFFFC000  }
0x35: {  	[tilespmem:s15], [sflag:$0x2] =	stream.indirect.gather [hbm4b:s2+s13], $0x80, s18, s13, $0xb8;
	[tilespmem:$0x1A400] =	vst v63  }
0x36: {  	_ =	swait.ge [sflag:s28], $0x4000  }
0x37: {  	[sflag:s28] =	ssyncset.done $0x0  }
0x38: {  	[sflag:s28] =	ssyncadd.s32 $0xFFFFC000  }
0x39: {  	[hbm4b:s11+s3] =	stream.linear.scatter [tilespmem:s19], [sflag:$0x9], $0x4000, $0x38;
	[tilespmem:$0x1A400] =	vst v63  }
0x3a: {  	_ =	swait.ge [sflag:s29], $0x4000  }
0x3b: {  	[sflag:s29] =	ssyncset.done $0x0  }
0x3c: {  	s20 =	simm.s32 $0x380;
	[sflag:s29] =	ssyncadd.s32 $0xFFFFC000  }
0x3d: {  	[tilespmem:s17], [sflag:$0x3] =	stream.indirect.gather [hbm4b:s2+s13], $0x80, s20, s13, $0xb8;
	[tilespmem:$0x1A400] =	vst v63  }
0x3e: {  	_ =	swait.ge [sflag:s30], $0x4000  }
0x3f: {  	[sflag:s30] =	ssyncset.done $0x0  }
0x40: {  	s4 =	sadd.s32 $0x800, s11;
	[sflag:s30] =	ssyncadd.s32 $0xFFFFC000  }
0x41: {  	[hbm4b:s4+s3] =	stream.linear.scatter [tilespmem:s21], [sflag:$0xA], $0x4000, $0x38;
	[tilespmem:$0x1A400] =	vst v63  }
0x42: {  	_ =	swait.ge [sflag:s31], $0x4000  }
0x43: {  	[sflag:s31] =	ssyncset.done $0x0  }
0x44: {  	s18 =	simm.s32 $0x400;
	[sflag:s31] =	ssyncadd.s32 $0xFFFFC000  }
0x45: {  	[tilespmem:s19], [sflag:$0x4] =	stream.indirect.gather [hbm4b:s2+s13], $0x80, s18, s13, $0xb8;
	[tilespmem:$0x1A400] =	vst v63  }
0x46: {  	_ =	swait.ge [sflag:s22], $0x4000  }
0x47: {  	[sflag:s22] =	ssyncset.done $0x0  }
0x48: {  	s20 =	sadd.s32 $0x1000, s11;
	[sflag:s22] =	ssyncadd.s32 $0xFFFFC000  }
0x49: {  	[hbm4b:s20+s3] =	stream.linear.scatter [tilespmem:s14], [sflag:$0x6], $0x4000, $0x38;
	[tilespmem:$0x1A400] =	vst v63  }
0x4a: {  	_ =	swait.ge [sflag:s1], $0x4000  }
0x4b: {  	s16 =	simm.s32 $0xA00;
	[sflag:s1] =	ssyncset.done $0x0  }
0x4c: {  	s18 =	sadd.s32 $0x2800, s11;
	s20 =	simm.s32 $0x480;
	[sflag:s1] =	ssyncadd.s32 $0xFFFFC000  }
.LBB2_2:
0x4d: {  	[tilespmem:s21], [sflag:$0x5] =	stream.indirect.gather [hbm4b:s2+s13], $0x80, s20, s13, $0xb8;
	[tilespmem:$0x1A400] =	vst v63  }
0x4e: {  	s20 =	smov.u32 s16  }
0x4f: {  	p0 =	sne.s32 s16, $0x17C00;
	s16 =	sadd.s32 $0xA00, s16;
	_ =	swait.ge [sflag:s23], $0x4000  }
0x50: {  	[sflag:s23] =	ssyncset.done $0x0  }
0x51: {  	s4 =	sadd.s32 $0xFFFFF000, s18;
	[sflag:s23] =	ssyncadd.s32 $0xFFFFC000  }
0x52: {  	[hbm4b:s4+s3] =	stream.linear.scatter [tilespmem:s15], [sflag:$0x7], $0x4000, $0x38;
	[tilespmem:$0x1A400] =	vst v63  }
0x53: {  	_ =	swait.ge [sflag:s24], $0x4000  }
0x54: {  	s20 =	sshra.s32 s20, $0x2;
	[sflag:s24] =	ssyncset.done $0x0  }
0x55: {  	s4 =	sadd.s32 $0x280, s20;
	[sflag:s24] =	ssyncadd.s32 $0xFFFFC000  }
0x56: {  	[tilespmem:s14], [sflag:$0x1] =	stream.indirect.gather [hbm4b:s2+s13], $0x80, s4, s13, $0xb8;
	[tilespmem:$0x1A400] =	vst v63  }
0x57: {  	_ =	swait.ge [sflag:s25], $0x4000  }
0x58: {  	[sflag:s25] =	ssyncset.done $0x0  }
0x59: {  	s4 =	sadd.s32 $0xFFFFF800, s18;
	[sflag:s25] =	ssyncadd.s32 $0xFFFFC000  }
0x5a: {  	[hbm4b:s4+s3] =	stream.linear.scatter [tilespmem:s17], [sflag:$0x8], $0x4000, $0x38;
	[tilespmem:$0x1A400] =	vst v63  }
0x5b: {  	_ =	swait.ge [sflag:s26], $0x4000  }
0x5c: {  	[sflag:s26] =	ssyncset.done $0x0  }
0x5d: {  	s4 =	sadd.s32 $0x300, s20;
	[sflag:s26] =	ssyncadd.s32 $0xFFFFC000  }
0x5e: {  	[tilespmem:s15], [sflag:$0x2] =	stream.indirect.gather [hbm4b:s2+s13], $0x80, s4, s13, $0xb8;
	[tilespmem:$0x1A400] =	vst v63  }
0x5f: {  	_ =	swait.ge [sflag:s28], $0x4000  }
0x60: {  	[sflag:s28] =	ssyncset.done $0x0  }
0x61: {  	[sflag:s28] =	ssyncadd.s32 $0xFFFFC000  }
0x62: {  	[hbm4b:s18+s3] =	stream.linear.scatter [tilespmem:s19], [sflag:$0x9], $0x4000, $0x38;
	[tilespmem:$0x1A400] =	vst v63  }
0x63: {  	_ =	swait.ge [sflag:s29], $0x4000  }
0x64: {  	[sflag:s29] =	ssyncset.done $0x0  }
0x65: {  	s4 =	sadd.s32 $0x380, s20;
	[sflag:s29] =	ssyncadd.s32 $0xFFFFC000  }
0x66: {  	[tilespmem:s17], [sflag:$0x3] =	stream.indirect.gather [hbm4b:s2+s13], $0x80, s4, s13, $0xb8;
	[tilespmem:$0x1A400] =	vst v63  }
0x67: {  	_ =	swait.ge [sflag:s30], $0x4000  }
0x68: {  	[sflag:s30] =	ssyncset.done $0x0  }
0x69: {  	s4 =	sadd.s32 $0x800, s18;
	[sflag:s30] =	ssyncadd.s32 $0xFFFFC000  }
0x6a: {  	[hbm4b:s4+s3] =	stream.linear.scatter [tilespmem:s21], [sflag:$0xA], $0x4000, $0x38;
	[tilespmem:$0x1A400] =	vst v63  }
0x6b: {  	_ =	swait.ge [sflag:s31], $0x4000  }
0x6c: {  	[sflag:s31] =	ssyncset.done $0x0  }
0x6d: {  	s4 =	sadd.s32 $0x400, s20;
	[sflag:s31] =	ssyncadd.s32 $0xFFFFC000  }
0x6e: {  	[tilespmem:s19], [sflag:$0x4] =	stream.indirect.gather [hbm4b:s2+s13], $0x80, s4, s13, $0xb8;
	[tilespmem:$0x1A400] =	vst v63  }
0x6f: {  	_ =	swait.ge [sflag:s22], $0x4000  }
0x70: {  	[sflag:s22] =	ssyncset.done $0x0  }
.Ltmp0:
0x71: {  	s4 =	sadd.s32 $0x1000, s18;
	[sflag:s22] =	ssyncadd.s32 $0xFFFFC000;
	(pc) =	sbr.rel @p0 .LBB2_2-.Ltmp0, $4  }
0x72: {  	[hbm4b:s4+s3] =	stream.linear.scatter [tilespmem:s14], [sflag:$0x6], $0x4000, $0x38;
	[tilespmem:$0x1A400] =	vst v63  }
0x73: {  	_ =	swait.ge [sflag:s1], $0x4000  }
0x74: {  	[sflag:s1] =	ssyncset.done $0x0  }
0x75: {  	s20 =	sadd.s32 $0x480, s20;
	s18 =	sadd.s32 $0x2800, s18;
	[sflag:s1] =	ssyncadd.s32 $0xFFFFC000  }
0x76: {  	[tilespmem:s21], [sflag:$0x5] =	stream.indirect.gather [hbm4b:s2+s13], $0x80, s20, s13, $0xb8;
	[tilespmem:$0x1A400] =	vst v63  }
0x77: {  	_ =	swait.ge [sflag:s23], $0x4000  }
0x78: {  	[sflag:s23] =	ssyncset.done $0x0  }
0x79: {  	[sflag:s23] =	ssyncadd.s32 $0xFFFFC000  }
0x7a: {  	[hbm4b:s6+s3] =	stream.linear.scatter [tilespmem:s15], [sflag:$0x7], $0x4000, $0x38;
	[tilespmem:$0x1A400] =	vst v63  }
0x7b: {  	_ =	swait.ge [sflag:s25], $0x4000  }
0x7c: {  	[sflag:s25] =	ssyncset.done $0x0  }
0x7d: {  	[sflag:s25] =	ssyncadd.s32 $0xFFFFC000  }
0x7e: {  	[hbm4b:s7+s3] =	stream.linear.scatter [tilespmem:s17], [sflag:$0x8], $0x4000, $0x38;
	[tilespmem:$0x1A400] =	vst v63  }
0x7f: {  	_ =	swait.ge [sflag:s28], $0x4000  }
0x80: {  	[sflag:s28] =	ssyncset.done $0x0  }
0x81: {  	[sflag:s28] =	ssyncadd.s32 $0xFFFFC000  }
0x82: {  	[hbm4b:s8+s3] =	stream.linear.scatter [tilespmem:s19], [sflag:$0x9], $0x4000, $0x38;
	[tilespmem:$0x1A400] =	vst v63  }
0x83: {  	_ =	swait.ge [sflag:s30], $0x4000  }
0x84: {  	[sflag:s30] =	ssyncset.done $0x0  }
0x85: {  	[sflag:s30] =	ssyncadd.s32 $0xFFFFC000  }
0x86: {  	[hbm4b:s9+s3] =	stream.linear.scatter [tilespmem:s21], [sflag:$0xA], $0x4000, $0x38;
	[tilespmem:$0x1A400] =	vst v63  }
0x87: {  	_ =	swait.ge [sflag:s24], $0x4000  }
0x88: {  	[sflag:s24] =	ssyncset.done $0x0  }
0x89: {  	[sflag:s24] =	ssyncadd.s32 $0xFFFFC000  }
0x8a: {  	_ =	swait.ge [sflag:s26], $0x4000  }
0x8b: {  	[sflag:s26] =	ssyncset.done $0x0  }
0x8c: {  	[sflag:s26] =	ssyncadd.s32 $0xFFFFC000  }
0x8d: {  	_ =	swait.ge [sflag:s29], $0x4000  }
0x8e: {  	[sflag:s29] =	ssyncset.done $0x0  }
0x8f: {  	s0 =	sadd.s32 $0x1, s0;
	[sflag:s29] =	ssyncadd.s32 $0xFFFFC000  }
0x90: {  	p0 =	sne.s32 s0, s10;
	_ =	swait.ge [sflag:s31], $0x4000  }
.Ltmp1:
0x91: {  	[sflag:s31] =	ssyncset.done $0x0;
	(pc) =	sbr.rel @p0 .LBB2_1-.Ltmp1, $4  }
0x92: {  	[sflag:s31] =	ssyncadd.s32 $0xFFFFC000  }
0x93: {  	_ =	swait.ge [sflag:s1], $0x4000  }
0x94: {  	[sflag:s1] =	ssyncset.done $0x0  }
0x95: {  	[sflag:s1] =	ssyncadd.s32 $0xFFFFC000  }
0x96: {  	_ =	sfence.sel $0x180000  }
0x97: {  	[bflag:$0x0] =	sbarrier.arrive $0xFFFF  }
0x98: {  	_ =	strace $0x90000047  }
0x99: {  	s0 =	stileid.u32;
	[bflag:$0x2] =	sbarrier.arrive $0xFFFF  }
0x9a: {  	p0 =	sne.s32 s0, $0x0;
	s0 =	rddreg [dreg:$0x3]  }
0x9b: {  	s0 =	sadd.s32 @!p0 $0x100000, s0  }
0x9c: {  	[sflag:s0] =	ssyncadd.tile.s32 @!p0 $0x1;
	_ =	shalt  }
.Lfunc_end2:
_tile_overlayer_lowered:
.L_overlay_start_2:
0x9d: {  	(tag) =	ssettag $0x2  }
0x9e: {  	s0 =	rddreg [dreg:$0x0];
	s2 =	stileid.u32  }
0x9f: {  	s1 =	rddreg [dreg:$0x1];
	p0 =	sne.s32 s2, $0x0  }
0xa0: {  	s3 =	rddreg [dreg:$0x2];
	[bflag:$0x3] =	sbarrier.arrive $0xFFFF;
	s2 =	simm.s32 @!p0 $0x1C0B  }
0xa1: {  	[timem:s3], [sflag:s2] =	dma.local @!p0 [hbm:s0], s1  }
0xa2: {  	s0 =	simm.s32 @!p0 $0xB  }
0xa3: {  	_ =	swait.ge @!p0 [sflag:s0], s1  }
0xa4: {  	s1 =	ssub.s32 @!p0 $0x0, s1;
	[sflag:s0] =	ssyncset.done @!p0 $0x0  }
0xa5: {  	[sflag:s0] =	ssyncadd.s32 @!p0 s1  }
0xa6: {  	[bflag:$0x3] =	sbarrier.arrive $0xFFFF  }
0xa7: {  	_ =	shalt  }

</sc_bundles>
